<compile_context>
chip_gen: v7x
topology: tpu7x:2x2x1
jax: 0.10.2.dev20260603
libtpu: 0.0.44.dev20260713+nightly
codegen_flags: <defaults>
</compile_context>

<pallas_src>
import jax
import jax.numpy as jnp
from jax import lax
from jax.experimental import pallas as pl
from jax.experimental.pallas import tpu as pltpu
from jax.experimental.pallas import tpu_sc as plsc

N = 10000
E = 320000
D = 128
H1 = 32
H2 = 16
OUT = 2

NC = 2
NS = 16
NW = NC * NS
CHUNK = 128
NROWS = 2560
E_PAD = NROWS * CHUNK
R = NROWS // NW
N_PAD = 10112
RPT = N_PAD // NS
TB = 2000
CW = 8
NBUF = 4


def _seg_sum_kernel(F, with_cnt):
    mesh = plsc.VectorSubcoreMesh(core_axis_name="c", subcore_axis_name="s")
    out_type = [jax.ShapeDtypeStruct((NC, N_PAD, F), jnp.float32)]
    scratch = [
        pltpu.VMEM((R, CHUNK), jnp.int32),
        pltpu.VMEM((R, CHUNK), jnp.int32),
        pltpu.VMEM((NBUF, CHUNK, F), jnp.float32),
        pltpu.VMEM_SHARED((N_PAD, F), jnp.float32),
        pltpu.VMEM_SHARED((N_PAD, F), jnp.float32),
        pltpu.SemaphoreType.DMA((NBUF,)),
        pltpu.SemaphoreType.DMA((NBUF,)),
        pltpu.SemaphoreType.DMA,
    ]
    if with_cnt:
        out_type.append(jax.ShapeDtypeStruct((NC, N_PAD, CW), jnp.float32))
        scratch += [
            pltpu.VMEM((CHUNK, CW), jnp.float32),
            pltpu.VMEM_SHARED((N_PAD, CW), jnp.float32),
        ]

    def body(src_hbm, dst_hbm, y_hbm, zacc_hbm, ones_hbm, zcnt_hbm,
             *rest):
        if with_cnt:
            (out_hbm, cnt_hbm,
             src_v, dst_v, rows_v, y_sh, acc_sh, gsems, ssems, csem,
             ones_v, cnt_sh) = rest
        else:
            (out_hbm, src_v, dst_v, rows_v, y_sh, acc_sh, gsems, ssems,
             csem) = rest
        c = lax.axis_index("c")
        s = lax.axis_index("s")
        wid = s * NC + c
        pltpu.sync_copy(y_hbm.at[pl.ds(s * RPT, RPT)],
                        y_sh.at[pl.ds(s * RPT, RPT)])
        pltpu.sync_copy(zacc_hbm, acc_sh.at[pl.ds(s * RPT, RPT)])
        if with_cnt:
            pltpu.sync_copy(zcnt_hbm, cnt_sh.at[pl.ds(s * RPT, RPT)])
            pltpu.sync_copy(ones_hbm, ones_v)
        pltpu.sync_copy(src_hbm.at[pl.ds(wid * R, R)], src_v)
        pltpu.sync_copy(dst_hbm.at[pl.ds(wid * R, R)], dst_v)
        plsc.subcore_barrier()

        for b in range(NBUF):
            pltpu.async_copy(y_sh.at[src_v.at[b]], rows_v.at[b], gsems.at[b])

        def group(g, carry):
            j0 = g * NBUF
            for b in range(NBUF):
                j = j0 + b
                pltpu.make_async_copy(y_sh.at[src_v.at[j]], rows_v.at[b],
                                      gsems.at[b]).wait()
                pltpu.async_copy(rows_v.at[b], acc_sh.at[dst_v.at[j]],
                                 ssems.at[b], add=True)
                if with_cnt:
                    pltpu.async_copy(ones_v, cnt_sh.at[dst_v.at[j]], csem,
                                     add=True)
                pltpu.make_async_copy(rows_v.at[b], acc_sh.at[dst_v.at[j]],
                                      ssems.at[b]).wait()
                jn = lax.rem(j + NBUF, R)
                pltpu.async_copy(y_sh.at[src_v.at[jn]], rows_v.at[b],
                                 gsems.at[b])
                if with_cnt:
                    pltpu.make_async_copy(ones_v, cnt_sh.at[dst_v.at[j]],
                                          csem).wait()
            return carry

        lax.fori_loop(0, R // NBUF, group, 0)
        for b in range(NBUF):
            pltpu.make_async_copy(y_sh.at[src_v.at[b]], rows_v.at[b],
                                  gsems.at[b]).wait()
        plsc.subcore_barrier()
        pltpu.sync_copy(acc_sh.at[pl.ds(s * RPT, RPT)],
                        out_hbm.at[c, pl.ds(s * RPT, RPT)])
        if with_cnt:
            pltpu.sync_copy(cnt_sh.at[pl.ds(s * RPT, RPT)],
                            cnt_hbm.at[c, pl.ds(s * RPT, RPT)])

    return pl.kernel(body, out_type=out_type if with_cnt else out_type[0],
                     mesh=mesh, scratch_types=scratch,
                     compiler_params=pltpu.CompilerParams(
                         use_tc_tiling_on_sc=False))


_DN = (((1,), (1,)), ((), ()))


def _t1_body(x_ref, wl_ref, wr_ref, b_ref, y_ref, r_ref):
    x = x_ref[...]
    y_ref[...] = lax.dot_general(x, wl_ref[...], _DN,
                                 preferred_element_type=jnp.float32)
    r_ref[...] = lax.dot_general(x, wr_ref[...], _DN,
                                 preferred_element_type=jnp.float32) + b_ref[...]


def _t2_body(acc_ref, cnt_ref, r1_ref, wl_ref, wr_ref, b_ref,
             y2_ref, r2_ref, inv_ref):
    agg = acc_ref[0] + acc_ref[1]
    cnt = cnt_ref[0, :, 0:1] + cnt_ref[1, :, 0:1]
    inv = 1.0 / jnp.maximum(cnt, 1.0)
    h1 = jnp.maximum(agg * inv + r1_ref[...], 0.0)
    y2_ref[...] = lax.dot_general(h1, wl_ref[...], _DN,
                                  preferred_element_type=jnp.float32)
    r2_ref[...] = lax.dot_general(h1, wr_ref[...], _DN,
                                  preferred_element_type=jnp.float32) + b_ref[...]
    inv_ref[...] = jnp.broadcast_to(inv, (TB, H2))


def _t3_body(acc_ref, r2_ref, inv_ref, wlin_ref, blin_ref, out_ref):
    agg = acc_ref[0] + acc_ref[1]
    h2 = jnp.maximum(agg * inv_ref[...] + r2_ref[...], 0.0)
    out_ref[...] = lax.dot_general(h2, wlin_ref[...], _DN,
                                   preferred_element_type=jnp.float32) + blin_ref[...]


def _row_blocked(shape3=False, width=None):
    if shape3:
        return pl.BlockSpec((NC, TB, width), lambda i: (0, i, 0))
    return pl.BlockSpec((TB, width), lambda i: (i, 0))


def _full(shape):
    return pl.BlockSpec(shape, lambda i: tuple(0 for _ in shape))


_t1 = pl.pallas_call(
    _t1_body,
    grid=(N // TB,),
    in_specs=[_row_blocked(width=D), _full((H1, D)), _full((H1, D)),
              _full((1, H1))],
    out_specs=[_row_blocked(width=H1), _row_blocked(width=H1)],
    out_shape=[
        jax.ShapeDtypeStruct((N_PAD, H1), jnp.float32),
        jax.ShapeDtypeStruct((N_PAD, H1), jnp.float32),
    ])
_t2 = pl.pallas_call(
    _t2_body,
    grid=(N // TB,),
    in_specs=[_row_blocked(True, H1), _row_blocked(True, CW),
              _row_blocked(width=H1), _full((H2, H1)), _full((H2, H1)),
              _full((1, H2))],
    out_specs=[_row_blocked(width=H2), _row_blocked(width=H2),
               _row_blocked(width=H2)],
    out_shape=[
        jax.ShapeDtypeStruct((N_PAD, H2), jnp.float32),
        jax.ShapeDtypeStruct((N_PAD, H2), jnp.float32),
        jax.ShapeDtypeStruct((N_PAD, H2), jnp.float32),
    ])
_t3 = pl.pallas_call(
    _t3_body,
    grid=(N // TB,),
    in_specs=[_row_blocked(True, H2), _row_blocked(width=H2),
              _row_blocked(width=H2), _full((OUT, H2)), _full((1, OUT))],
    out_specs=_row_blocked(width=OUT),
    out_shape=jax.ShapeDtypeStruct((N, OUT), jnp.float32))

_s1 = _seg_sum_kernel(H1, with_cnt=True)
_s2 = _seg_sum_kernel(H2, with_cnt=False)


def kernel(x, edge_index, W1l, b1, W1r, W2l, b2, W2r, Wlin, blin):
    pad = E_PAD - E
    trash = N + (jnp.arange(pad, dtype=jnp.int32) % (N_PAD - N))
    src = jnp.concatenate([edge_index[0], jnp.zeros((pad,), jnp.int32)])
    dst = jnp.concatenate([edge_index[1], trash])
    src = src.reshape(NROWS, CHUNK)
    dst = dst.reshape(NROWS, CHUNK)
    zacc1 = jnp.zeros((RPT, H1), jnp.float32)
    zacc2 = jnp.zeros((RPT, H2), jnp.float32)
    zcnt = jnp.zeros((RPT, CW), jnp.float32)
    ones = jnp.ones((CHUNK, CW), jnp.float32)

    y1, r1 = _t1(x, W1l, W1r, b1.reshape(1, H1))
    acc1, cntp = _s1(src, dst, y1, zacc1, ones, zcnt)
    y2, r2, inv = _t2(acc1, cntp, r1, W2l, W2r, b2.reshape(1, H2))
    acc2 = _s2(src, dst, y2, zacc2, ones, zcnt)
    out = _t3(acc2, r2, inv, Wlin, blin.reshape(1, OUT))
    return out

# --- scband reference (transcript-rebuilt; emitter-appended) ---
"""Pipeline reference for scband-fraud-gnn-31645319037563 (READ-ONLY COPY).

The authoritative reference and input builder live on the scoring server;
editing this copy changes nothing except your own understanding.
"""

import jax, jax.numpy as jnp
import numpy as np

N = 10000
E = 320000
D = 128
H1 = 32
H2 = 16
OUT = 2


def setup_inputs(seed: int = 0) -> dict:
    key = jax.random.key(seed)
    ks = jax.random.split(key, 12)
    x = jax.random.normal(ks[0], (N, D), dtype=jnp.float32)
    edge_index = jax.random.randint(ks[1], (2, E), 0, N, dtype=jnp.int32)
    # SAGEConv layer 1: lin_l (neighbor aggregation, with bias), lin_r (root, no bias)
    W1l = jax.random.normal(ks[2], (H1, D), dtype=jnp.float32) * (1.0 / np.sqrt(D))
    b1 = jnp.zeros((H1,), dtype=jnp.float32)
    W1r = jax.random.normal(ks[3], (H1, D), dtype=jnp.float32) * (1.0 / np.sqrt(D))
    # SAGEConv layer 2
    W2l = jax.random.normal(ks[4], (H2, H1), dtype=jnp.float32) * (1.0 / np.sqrt(H1))
    b2 = jnp.zeros((H2,), dtype=jnp.float32)
    W2r = jax.random.normal(ks[5], (H2, H1), dtype=jnp.float32) * (1.0 / np.sqrt(H1))
    # Final linear
    Wlin = jax.random.normal(ks[6], (OUT, H2), dtype=jnp.float32) * (1.0 / np.sqrt(H2))
    blin = jnp.zeros((OUT,), dtype=jnp.float32)
    return {"x": x, "edge_index": edge_index, "W1l": W1l, "b1": b1, "W1r": W1r,
            "W2l": W2l, "b2": b2, "W2r": W2r, "Wlin": Wlin, "blin": blin}


def _sage_conv(x, edge_index, Wl, bl, Wr):
    # PyG SAGEConv with mean aggregation:
    # out_i = lin_l(mean_{j in N(i)} x_j) + lin_r(x_i)
    src = edge_index[0]
    dst = edge_index[1]
    msgs = jnp.take(x, src, axis=0)                               # gather  [E, d]
    agg = jax.ops.segment_sum(msgs, dst, num_segments=x.shape[0]) # scatter-add [N, d]
    cnt = jax.ops.segment_sum(jnp.ones((edge_index.shape[1],), dtype=x.dtype),
                              dst, num_segments=x.shape[0])
    mean = agg / jnp.clip(cnt, 1.0)[:, None]
    return mean @ Wl.T + bl + x @ Wr.T


def reference(x, edge_index, W1l, b1, W1r, W2l, b2, W2r, Wlin, blin):
    h = jax.nn.relu(_sage_conv(x, edge_index, W1l, b1, W1r))
    h = jax.nn.relu(_sage_conv(h, edge_index, W2l, b2, W2r))
    return h @ Wlin.T + blin

if __name__ == "__main__":
    import jax
    _d = setup_inputs()
    print(jax.jit(kernel)(*tuple(_d.values())))

</pallas_src>

<mosaic_0001>
#map = affine_map<(d0, d1) -> (0, 0)>
#map1 = affine_map<(d0, d1) -> (0, 0, 0)>
module attributes {stable_mosaic.version = 14 : i64} {
  func.func @body(%arg0: i32, %arg1: i32, %arg2: memref<2560x128xi32, #tpu.memory_space<hbm>>, %arg3: memref<2560x128xi32, #tpu.memory_space<hbm>>, %arg4: memref<10112x32xf32, #tpu.memory_space<hbm>>, %arg5: memref<632x32xf32, #tpu.memory_space<hbm>>, %arg6: memref<128x8xf32, #tpu.memory_space<hbm>>, %arg7: memref<632x8xf32, #tpu.memory_space<hbm>>, %arg8: memref<2x10112x32xf32, #tpu.memory_space<hbm>>, %arg9: memref<2x10112x8xf32, #tpu.memory_space<hbm>>, %arg10: memref<80x128xi32, #tpu.memory_space<vmem>>, %arg11: memref<80x128xi32, #tpu.memory_space<vmem>>, %arg12: memref<4x128x32xf32, #tpu.memory_space<vmem>>, %arg13: memref<10112x32xf32, #tpu.memory_space<vmem_shared>>, %arg14: memref<10112x32xf32, #tpu.memory_space<vmem_shared>>, %arg15: memref<4x!tpu.dma_semaphore, #tpu.memory_space<semaphore_mem>>, %arg16: memref<4x!tpu.dma_semaphore, #tpu.memory_space<semaphore_mem>>, %arg17: memref<!tpu.dma_semaphore, #tpu.memory_space<semaphore_mem>>, %arg18: memref<128x8xf32, #tpu.memory_space<vmem>>, %arg19: memref<10112x8xf32, #tpu.memory_space<vmem_shared>>) attributes {dimension_semantics = [#tpu.dimension_semantics<core_parallel>, #tpu.dimension_semantics<subcore_parallel>], iteration_bounds = array<i64: 2, 16>, scalar_prefetch = 0 : i64, scratch_operands = 10 : i64, tpu.core_type = #tpu.core_type<sc_vector_subcore>, window_params = [{transform_indices = #map}, {transform_indices = #map}, {transform_indices = #map}, {transform_indices = #map}, {transform_indices = #map}, {transform_indices = #map}, {transform_indices = #map1}, {transform_indices = #map1}]} {
    %mul3A = arith.constant 2 : i32
    %mul3A_0 = arith.muli %arg1, %mul3A : i32
    %add3A = arith.addi %mul3A_0, %arg0 : i32
    %mul3A_1 = arith.constant 632 : i32
    %mul3A_2 = arith.muli %arg1, %mul3A_1 : i32
    %mul3A_3 = arith.constant 632 : i32
    %mul3A_4 = arith.muli %arg1, %mul3A_3 : i32
    "tpu.region"() ({
      %run_scoped3A = tpu.sem_alloc : memref<!tpu.dma_semaphore, #tpu.memory_space<semaphore_mem>>
      %dma_start3A_145 = arith.constant 0 : i32
      %dma_start3A_146 = tpu.memref_slice %arg13[%mul3A_4, %dma_start3A_145] : memref<10112x32xf32, #tpu.memory_space<vmem_shared>> -> memref<632x32xf32, #tpu.memory_space<vmem_shared>>
      %dma_start3A_147 = arith.constant 0 : i32
      %dma_start3A_148 = tpu.memref_slice %arg4[%mul3A_2, %dma_start3A_147] : memref<10112x32xf32, #tpu.memory_space<hbm>> -> memref<632x32xf32, #tpu.memory_space<hbm>>
      tpu.enqueue_dma source(%dma_start3A_148 : memref<632x32xf32, #tpu.memory_space<hbm>>) target(%dma_start3A_146 : memref<632x32xf32, #tpu.memory_space<vmem_shared>>) target_semaphore(%run_scoped3A : memref<!tpu.dma_semaphore, #tpu.memory_space<semaphore_mem>>)
      %dma_wait3A_149 = arith.constant 0 : i32
      %dma_wait3A_150 = tpu.memref_slice %arg13[%mul3A_4, %dma_wait3A_149] : memref<10112x32xf32, #tpu.memory_space<vmem_shared>> -> memref<632x32xf32, #tpu.memory_space<vmem_shared>>
      %dma_wait3A_151 = arith.constant 0 : i32
      %dma_wait3A_152 = tpu.memref_slice %arg4[%mul3A_2, %dma_wait3A_151] : memref<10112x32xf32, #tpu.memory_space<hbm>> -> memref<632x32xf32, #tpu.memory_space<hbm>>
      tpu.wait_dma2 semaphore(%run_scoped3A : memref<!tpu.dma_semaphore, #tpu.memory_space<semaphore_mem>>) src(%dma_wait3A_152 : memref<632x32xf32, #tpu.memory_space<hbm>>) dst(%dma_wait3A_150 : memref<632x32xf32, #tpu.memory_space<vmem_shared>>)
      tpu.yield
    }) : () -> ()
    %mul3A_5 = arith.constant 632 : i32
    %mul3A_6 = arith.muli %arg1, %mul3A_5 : i32
    "tpu.region"() ({
      %run_scoped3A = tpu.sem_alloc : memref<!tpu.dma_semaphore, #tpu.memory_space<semaphore_mem>>
      %dma_start3A_145 = arith.constant 0 : i32
      %dma_start3A_146 = tpu.memref_slice %arg14[%mul3A_6, %dma_start3A_145] : memref<10112x32xf32, #tpu.memory_space<vmem_shared>> -> memref<632x32xf32, #tpu.memory_space<vmem_shared>>
      tpu.enqueue_dma source(%arg5 : memref<632x32xf32, #tpu.memory_space<hbm>>) target(%dma_start3A_146 : memref<632x32xf32, #tpu.memory_space<vmem_shared>>) target_semaphore(%run_scoped3A : memref<!tpu.dma_semaphore, #tpu.memory_space<semaphore_mem>>)
      %dma_wait3A_147 = arith.constant 0 : i32
      %dma_wait3A_148 = tpu.memref_slice %arg14[%mul3A_6, %dma_wait3A_147] : memref<10112x32xf32, #tpu.memory_space<vmem_shared>> -> memref<632x32xf32, #tpu.memory_space<vmem_shared>>
      tpu.wait_dma2 semaphore(%run_scoped3A : memref<!tpu.dma_semaphore, #tpu.memory_space<semaphore_mem>>) src(%arg5 : memref<632x32xf32, #tpu.memory_space<hbm>>) dst(%dma_wait3A_148 : memref<632x32xf32, #tpu.memory_space<vmem_shared>>)
      tpu.yield
    }) : () -> ()
    %mul3A_7 = arith.constant 632 : i32
    %mul3A_8 = arith.muli %arg1, %mul3A_7 : i32
    "tpu.region"() ({
      %run_scoped3A = tpu.sem_alloc : memref<!tpu.dma_semaphore, #tpu.memory_space<semaphore_mem>>
      %dma_start3A_145 = arith.constant 0 : i32
      %dma_start3A_146 = tpu.memref_slice %arg19[%mul3A_8, %dma_start3A_145] : memref<10112x8xf32, #tpu.memory_space<vmem_shared>> -> memref<632x8xf32, #tpu.memory_space<vmem_shared>>
      tpu.enqueue_dma source(%arg7 : memref<632x8xf32, #tpu.memory_space<hbm>>) target(%dma_start3A_146 : memref<632x8xf32, #tpu.memory_space<vmem_shared>>) target_semaphore(%run_scoped3A : memref<!tpu.dma_semaphore, #tpu.memory_space<semaphore_mem>>)
      %dma_wait3A_147 = arith.constant 0 : i32
      %dma_wait3A_148 = tpu.memref_slice %arg19[%mul3A_8, %dma_wait3A_147] : memref<10112x8xf32, #tpu.memory_space<vmem_shared>> -> memref<632x8xf32, #tpu.memory_space<vmem_shared>>
      tpu.wait_dma2 semaphore(%run_scoped3A : memref<!tpu.dma_semaphore, #tpu.memory_space<semaphore_mem>>) src(%arg7 : memref<632x8xf32, #tpu.memory_space<hbm>>) dst(%dma_wait3A_148 : memref<632x8xf32, #tpu.memory_space<vmem_shared>>)
      tpu.yield
    }) : () -> ()
    "tpu.region"() ({
      %run_scoped3A = tpu.sem_alloc : memref<!tpu.dma_semaphore, #tpu.memory_space<semaphore_mem>>
      tpu.enqueue_dma source(%arg6 : memref<128x8xf32, #tpu.memory_space<hbm>>) target(%arg18 : memref<128x8xf32, #tpu.memory_space<vmem>>) target_semaphore(%run_scoped3A : memref<!tpu.dma_semaphore, #tpu.memory_space<semaphore_mem>>)
      tpu.wait_dma2 semaphore(%run_scoped3A : memref<!tpu.dma_semaphore, #tpu.memory_space<semaphore_mem>>) src(%arg6 : memref<128x8xf32, #tpu.memory_space<hbm>>) dst(%arg18 : memref<128x8xf32, #tpu.memory_space<vmem>>)
      tpu.yield
    }) : () -> ()
    %mul3A_9 = arith.constant 80 : i32
    %mul3A_10 = arith.muli %add3A, %mul3A_9 : i32
    "tpu.region"() ({
      %run_scoped3A = tpu.sem_alloc : memref<!tpu.dma_semaphore, #tpu.memory_space<semaphore_mem>>
      %dma_start3A_145 = arith.constant 0 : i32
      %dma_start3A_146 = tpu.memref_slice %arg2[%mul3A_10, %dma_start3A_145] : memref<2560x128xi32, #tpu.memory_space<hbm>> -> memref<80x128xi32, #tpu.memory_space<hbm>>
      %dma_start3A_147 = arith.constant 0 : i32
      %dma_start3A_148 = tpu.memref_slice %arg2[%mul3A_10, %dma_start3A_147] : memref<2560x128xi32, #tpu.memory_space<hbm>> -> memref<80x128xi32, #tpu.memory_space<hbm>>
      tpu.enqueue_dma source(%dma_start3A_148 : memref<80x128xi32, #tpu.memory_space<hbm>>) target(%arg10 : memref<80x128xi32, #tpu.memory_space<vmem>>) target_semaphore(%run_scoped3A : memref<!tpu.dma_semaphore, #tpu.memory_space<semaphore_mem>>)
      %dma_wait3A_149 = arith.constant 0 : i32
      %dma_wait3A_150 = tpu.memref_slice %arg2[%mul3A_10, %dma_wait3A_149] : memref<2560x128xi32, #tpu.memory_space<hbm>> -> memref<80x128xi32, #tpu.memory_space<hbm>>
      %dma_wait3A_151 = arith.constant 0 : i32
      %dma_wait3A_152 = tpu.memref_slice %arg2[%mul3A_10, %dma_wait3A_151] : memref<2560x128xi32, #tpu.memory_space<hbm>> -> memref<80x128xi32, #tpu.memory_space<hbm>>
      tpu.wait_dma2 semaphore(%run_scoped3A : memref<!tpu.dma_semaphore, #tpu.memory_space<semaphore_mem>>) src(%dma_wait3A_152 : memref<80x128xi32, #tpu.memory_space<hbm>>) dst(%arg10 : memref<80x128xi32, #tpu.memory_space<vmem>>)
      tpu.yield
    }) : () -> ()
    %mul3A_11 = arith.constant 80 : i32
    %mul3A_12 = arith.muli %add3A, %mul3A_11 : i32
    "tpu.region"() ({
      %run_scoped3A = tpu.sem_alloc : memref<!tpu.dma_semaphore, #tpu.memory_space<semaphore_mem>>
      %dma_start3A_145 = arith.constant 0 : i32
      %dma_start3A_146 = tpu.memref_slice %arg3[%mul3A_12, %dma_start3A_145] : memref<2560x128xi32, #tpu.memory_space<hbm>> -> memref<80x128xi32, #tpu.memory_space<hbm>>
      %dma_start3A_147 = arith.constant 0 : i32
      %dma_start3A_148 = tpu.memref_slice %arg3[%mul3A_12, %dma_start3A_147] : memref<2560x128xi32, #tpu.memory_space<hbm>> -> memref<80x128xi32, #tpu.memory_space<hbm>>
      tpu.enqueue_dma source(%dma_start3A_148 : memref<80x128xi32, #tpu.memory_space<hbm>>) target(%arg11 : memref<80x128xi32, #tpu.memory_space<vmem>>) target_semaphore(%run_scoped3A : memref<!tpu.dma_semaphore, #tpu.memory_space<semaphore_mem>>)
      %dma_wait3A_149 = arith.constant 0 : i32
      %dma_wait3A_150 = tpu.memref_slice %arg3[%mul3A_12, %dma_wait3A_149] : memref<2560x128xi32, #tpu.memory_space<hbm>> -> memref<80x128xi32, #tpu.memory_space<hbm>>
      %dma_wait3A_151 = arith.constant 0 : i32
      %dma_wait3A_152 = tpu.memref_slice %arg3[%mul3A_12, %dma_wait3A_151] : memref<2560x128xi32, #tpu.memory_space<hbm>> -> memref<80x128xi32, #tpu.memory_space<hbm>>
      tpu.wait_dma2 semaphore(%run_scoped3A : memref<!tpu.dma_semaphore, #tpu.memory_space<semaphore_mem>>) src(%dma_wait3A_152 : memref<80x128xi32, #tpu.memory_space<hbm>>) dst(%arg11 : memref<80x128xi32, #tpu.memory_space<vmem>>)
      tpu.yield
    }) : () -> ()
    %barrier3A = arith.constant 0 : index
    tpu.barrier barrier_id(%barrier3A)
    %dma_start3A = arith.constant 0 : i32
    %dma_start3A_13 = arith.constant 0 : i32
    %dma_start3A_14 = arith.constant 0 : i32
    %dma_start3A_15 = arith.constant 0 : i32
    %dma_start3A_16 = arith.constant 0 : i32
    %dma_start3A_17 = tpu.memref_slice %arg12[%dma_start3A_13, %dma_start3A_15, %dma_start3A_16] : memref<4x128x32xf32, #tpu.memory_space<vmem>> -> memref<1x128x32xf32, #tpu.memory_space<vmem>>
    %dma_start3A_18 = tpu.memref_squeeze %dma_start3A_17 : memref<1x128x32xf32, #tpu.memory_space<vmem>> -> memref<128x32xf32, #tpu.memory_space<vmem>>
    %dma_start3A_19 = arith.constant 0 : i32
    %dma_start3A_20 = tpu.memref_slice %arg10[%dma_start3A, %dma_start3A_19] : memref<80x128xi32, #tpu.memory_space<vmem>> -> memref<1x128xi32, #tpu.memory_space<vmem>>
    %dma_start3A_21 = tpu.memref_squeeze %dma_start3A_20 : memref<1x128xi32, #tpu.memory_space<vmem>> -> memref<128xi32, #tpu.memory_space<vmem>>
    %dma_start3A_22 = arith.constant 0 : i32
    %dma_start3A_23 = arith.constant 0 : i32
    %dma_start3A_24 = tpu.memref_slice %arg13[%dma_start3A_22, %dma_start3A_23] : memref<10112x32xf32, #tpu.memory_space<vmem_shared>> -> memref<10112x32xf32, #tpu.memory_space<vmem_shared>>
    %dma_start3A_25 = tpu.memref_slice %arg15[%dma_start3A_14] : memref<4x!tpu.dma_semaphore, #tpu.memory_space<semaphore_mem>> -> memref<1x!tpu.dma_semaphore, #tpu.memory_space<semaphore_mem>>
    %dma_start3A_26 = tpu.memref_squeeze %dma_start3A_25 : memref<1x!tpu.dma_semaphore, #tpu.memory_space<semaphore_mem>> -> memref<!tpu.dma_semaphore, #tpu.memory_space<semaphore_mem>>
    tpu.enqueue_indirect_dma source(%dma_start3A_24 : memref<10112x32xf32, #tpu.memory_space<vmem_shared>>) target(%dma_start3A_18 : memref<128x32xf32, #tpu.memory_space<vmem>>) offsets(%dma_start3A_21 : memref<128xi32, #tpu.memory_space<vmem>>) semaphore(%dma_start3A_26 : memref<!tpu.dma_semaphore, #tpu.memory_space<semaphore_mem>>)
    %dma_start3A_27 = arith.constant 1 : i32
    %dma_start3A_28 = arith.constant 1 : i32
    %dma_start3A_29 = arith.constant 1 : i32
    %dma_start3A_30 = arith.constant 0 : i32
    %dma_start3A_31 = arith.constant 0 : i32
    %dma_start3A_32 = tpu.memref_slice %arg12[%dma_start3A_28, %dma_start3A_30, %dma_start3A_31] : memref<4x128x32xf32, #tpu.memory_space<vmem>> -> memref<1x128x32xf32, #tpu.memory_space<vmem>>
    %dma_start3A_33 = tpu.memref_squeeze %dma_start3A_32 : memref<1x128x32xf32, #tpu.memory_space<vmem>> -> memref<128x32xf32, #tpu.memory_space<vmem>>
    %dma_start3A_34 = arith.constant 0 : i32
    %dma_start3A_35 = tpu.memref_slice %arg10[%dma_start3A_27, %dma_start3A_34] : memref<80x128xi32, #tpu.memory_space<vmem>> -> memref<1x128xi32, #tpu.memory_space<vmem>>
    %dma_start3A_36 = tpu.memref_squeeze %dma_start3A_35 : memref<1x128xi32, #tpu.memory_space<vmem>> -> memref<128xi32, #tpu.memory_space<vmem>>
    %dma_start3A_37 = arith.constant 0 : i32
    %dma_start3A_38 = arith.constant 0 : i32
    %dma_start3A_39 = tpu.memref_slice %arg13[%dma_start3A_37, %dma_start3A_38] : memref<10112x32xf32, #tpu.memory_space<vmem_shared>> -> memref<10112x32xf32, #tpu.memory_space<vmem_shared>>
    %dma_start3A_40 = tpu.memref_slice %arg15[%dma_start3A_29] : memref<4x!tpu.dma_semaphore, #tpu.memory_space<semaphore_mem>> -> memref<1x!tpu.dma_semaphore, #tpu.memory_space<semaphore_mem>>
    %dma_start3A_41 = tpu.memref_squeeze %dma_start3A_40 : memref<1x!tpu.dma_semaphore, #tpu.memory_space<semaphore_mem>> -> memref<!tpu.dma_semaphore, #tpu.memory_space<semaphore_mem>>
    tpu.enqueue_indirect_dma source(%dma_start3A_39 : memref<10112x32xf32, #tpu.memory_space<vmem_shared>>) target(%dma_start3A_33 : memref<128x32xf32, #tpu.memory_space<vmem>>) offsets(%dma_start3A_36 : memref<128xi32, #tpu.memory_space<vmem>>) semaphore(%dma_start3A_41 : memref<!tpu.dma_semaphore, #tpu.memory_space<semaphore_mem>>)
    %dma_start3A_42 = arith.constant 2 : i32
    %dma_start3A_43 = arith.constant 2 : i32
    %dma_start3A_44 = arith.constant 2 : i32
    %dma_start3A_45 = arith.constant 0 : i32
    %dma_start3A_46 = arith.constant 0 : i32
    %dma_start3A_47 = tpu.memref_slice %arg12[%dma_start3A_43, %dma_start3A_45, %dma_start3A_46] : memref<4x128x32xf32, #tpu.memory_space<vmem>> -> memref<1x128x32xf32, #tpu.memory_space<vmem>>
    %dma_start3A_48 = tpu.memref_squeeze %dma_start3A_47 : memref<1x128x32xf32, #tpu.memory_space<vmem>> -> memref<128x32xf32, #tpu.memory_space<vmem>>
    %dma_start3A_49 = arith.constant 0 : i32
    %dma_start3A_50 = tpu.memref_slice %arg10[%dma_start3A_42, %dma_start3A_49] : memref<80x128xi32, #tpu.memory_space<vmem>> -> memref<1x128xi32, #tpu.memory_space<vmem>>
    %dma_start3A_51 = tpu.memref_squeeze %dma_start3A_50 : memref<1x128xi32, #tpu.memory_space<vmem>> -> memref<128xi32, #tpu.memory_space<vmem>>
    %dma_start3A_52 = arith.constant 0 : i32
    %dma_start3A_53 = arith.constant 0 : i32
    %dma_start3A_54 = tpu.memref_slice %arg13[%dma_start3A_52, %dma_start3A_53] : memref<10112x32xf32, #tpu.memory_space<vmem_shared>> -> memref<10112x32xf32, #tpu.memory_space<vmem_shared>>
    %dma_start3A_55 = tpu.memref_slice %arg15[%dma_start3A_44] : memref<4x!tpu.dma_semaphore, #tpu.memory_space<semaphore_mem>> -> memref<1x!tpu.dma_semaphore, #tpu.memory_space<semaphore_mem>>
    %dma_start3A_56 = tpu.memref_squeeze %dma_start3A_55 : memref<1x!tpu.dma_semaphore, #tpu.memory_space<semaphore_mem>> -> memref<!tpu.dma_semaphore, #tpu.memory_space<semaphore_mem>>
    tpu.enqueue_indirect_dma source(%dma_start3A_54 : memref<10112x32xf32, #tpu.memory_space<vmem_shared>>) target(%dma_start3A_48 : memref<128x32xf32, #tpu.memory_space<vmem>>) offsets(%dma_start3A_51 : memref<128xi32, #tpu.memory_space<vmem>>) semaphore(%dma_start3A_56 : memref<!tpu.dma_semaphore, #tpu.memory_space<semaphore_mem>>)
    %dma_start3A_57 = arith.constant 3 : i32
    %dma_start3A_58 = arith.constant 3 : i32
    %dma_start3A_59 = arith.constant 3 : i32
    %dma_start3A_60 = arith.constant 0 : i32
    %dma_start3A_61 = arith.constant 0 : i32
    %dma_start3A_62 = tpu.memref_slice %arg12[%dma_start3A_58, %dma_start3A_60, %dma_start3A_61] : memref<4x128x32xf32, #tpu.memory_space<vmem>> -> memref<1x128x32xf32, #tpu.memory_space<vmem>>
    %dma_start3A_63 = tpu.memref_squeeze %dma_start3A_62 : memref<1x128x32xf32, #tpu.memory_space<vmem>> -> memref<128x32xf32, #tpu.memory_space<vmem>>
    %dma_start3A_64 = arith.constant 0 : i32
    %dma_start3A_65 = tpu.memref_slice %arg10[%dma_start3A_57, %dma_start3A_64] : memref<80x128xi32, #tpu.memory_space<vmem>> -> memref<1x128xi32, #tpu.memory_space<vmem>>
    %dma_start3A_66 = tpu.memref_squeeze %dma_start3A_65 : memref<1x128xi32, #tpu.memory_space<vmem>> -> memref<128xi32, #tpu.memory_space<vmem>>
    %dma_start3A_67 = arith.constant 0 : i32
    %dma_start3A_68 = arith.constant 0 : i32
    %dma_start3A_69 = tpu.memref_slice %arg13[%dma_start3A_67, %dma_start3A_68] : memref<10112x32xf32, #tpu.memory_space<vmem_shared>> -> memref<10112x32xf32, #tpu.memory_space<vmem_shared>>
    %dma_start3A_70 = tpu.memref_slice %arg15[%dma_start3A_59] : memref<4x!tpu.dma_semaphore, #tpu.memory_space<semaphore_mem>> -> memref<1x!tpu.dma_semaphore, #tpu.memory_space<semaphore_mem>>
    %dma_start3A_71 = tpu.memref_squeeze %dma_start3A_70 : memref<1x!tpu.dma_semaphore, #tpu.memory_space<semaphore_mem>> -> memref<!tpu.dma_semaphore, #tpu.memory_space<semaphore_mem>>
    tpu.enqueue_indirect_dma source(%dma_start3A_69 : memref<10112x32xf32, #tpu.memory_space<vmem_shared>>) target(%dma_start3A_63 : memref<128x32xf32, #tpu.memory_space<vmem>>) offsets(%dma_start3A_66 : memref<128xi32, #tpu.memory_space<vmem>>) semaphore(%dma_start3A_71 : memref<!tpu.dma_semaphore, #tpu.memory_space<semaphore_mem>>)
    %scan3A = arith.constant 0 : i32
    %scan3A_72 = arith.constant 0 : i32
    %scan3A_73 = arith.constant 20 : i32
    %scan3A_74 = arith.addi %scan3A_72, %scan3A_73 : i32
    %scan3A_75 = arith.constant 1 : i32
    scf.for %scan3A_145 = %scan3A_72 to %scan3A_74 step %scan3A_75  : i32 {
      %mul3A_146 = arith.constant 4 : i32
      %mul3A_147 = arith.muli %scan3A_145, %mul3A_146 : i32
      %add3A_148 = arith.constant 0 : i32
      %add3A_149 = arith.addi %mul3A_147, %add3A_148 : i32
      %dma_wait3A_150 = arith.constant 0 : i32
      %dma_wait3A_151 = arith.constant 0 : i32
      %dma_wait3A_152 = arith.constant 0 : i32
      %dma_wait3A_153 = arith.constant 0 : i32
      %dma_wait3A_154 = tpu.memref_slice %arg12[%dma_wait3A_150, %dma_wait3A_152, %dma_wait3A_153] : memref<4x128x32xf32, #tpu.memory_space<vmem>> -> memref<1x128x32xf32, #tpu.memory_space<vmem>>
      %dma_wait3A_155 = tpu.memref_squeeze %dma_wait3A_154 : memref<1x128x32xf32, #tpu.memory_space<vmem>> -> memref<128x32xf32, #tpu.memory_space<vmem>>
      %dma_wait3A_156 = arith.constant 0 : i32
      %dma_wait3A_157 = tpu.memref_slice %arg10[%add3A_149, %dma_wait3A_156] : memref<80x128xi32, #tpu.memory_space<vmem>> -> memref<1x128xi32, #tpu.memory_space<vmem>>
      %dma_wait3A_158 = tpu.memref_squeeze %dma_wait3A_157 : memref<1x128xi32, #tpu.memory_space<vmem>> -> memref<128xi32, #tpu.memory_space<vmem>>
      %dma_wait3A_159 = arith.constant 0 : i32
      %dma_wait3A_160 = arith.constant 0 : i32
      %dma_wait3A_161 = tpu.memref_slice %arg13[%dma_wait3A_159, %dma_wait3A_160] : memref<10112x32xf32, #tpu.memory_space<vmem_shared>> -> memref<10112x32xf32, #tpu.memory_space<vmem_shared>>
      %dma_wait3A_162 = tpu.memref_slice %arg15[%dma_wait3A_151] : memref<4x!tpu.dma_semaphore, #tpu.memory_space<semaphore_mem>> -> memref<1x!tpu.dma_semaphore, #tpu.memory_space<semaphore_mem>>
      %dma_wait3A_163 = tpu.memref_squeeze %dma_wait3A_162 : memref<1x!tpu.dma_semaphore, #tpu.memory_space<semaphore_mem>> -> memref<!tpu.dma_semaphore, #tpu.memory_space<semaphore_mem>>
      tpu.wait_indirect_dma semaphore(%dma_wait3A_163 : memref<!tpu.dma_semaphore, #tpu.memory_space<semaphore_mem>>) src(%dma_wait3A_161 : memref<10112x32xf32, #tpu.memory_space<vmem_shared>>) dst(%dma_wait3A_155 : memref<128x32xf32, #tpu.memory_space<vmem>>)
      %dma_start3A_164 = arith.constant 0 : i32
      %dma_start3A_165 = arith.constant 0 : i32
      %dma_start3A_166 = arith.constant 0 : i32
      %dma_start3A_167 = arith.constant 0 : i32
      %dma_start3A_168 = tpu.memref_slice %arg12[%dma_start3A_164, %dma_start3A_166, %dma_start3A_167] : memref<4x128x32xf32, #tpu.memory_space<vmem>> -> memref<1x128x32xf32, #tpu.memory_space<vmem>>
      %dma_start3A_169 = tpu.memref_squeeze %dma_start3A_168 : memref<1x128x32xf32, #tpu.memory_space<vmem>> -> memref<128x32xf32, #tpu.memory_space<vmem>>
      %dma_start3A_170 = arith.constant 0 : i32
      %dma_start3A_171 = tpu.memref_slice %arg11[%add3A_149, %dma_start3A_170] : memref<80x128xi32, #tpu.memory_space<vmem>> -> memref<1x128xi32, #tpu.memory_space<vmem>>
      %dma_start3A_172 = tpu.memref_squeeze %dma_start3A_171 : memref<1x128xi32, #tpu.memory_space<vmem>> -> memref<128xi32, #tpu.memory_space<vmem>>
      %dma_start3A_173 = arith.constant 0 : i32
      %dma_start3A_174 = arith.constant 0 : i32
      %dma_start3A_175 = tpu.memref_slice %arg14[%dma_start3A_173, %dma_start3A_174] : memref<10112x32xf32, #tpu.memory_space<vmem_shared>> -> memref<10112x32xf32, #tpu.memory_space<vmem_shared>>
      %dma_start3A_176 = tpu.memref_slice %arg16[%dma_start3A_165] : memref<4x!tpu.dma_semaphore, #tpu.memory_space<semaphore_mem>> -> memref<1x!tpu.dma_semaphore, #tpu.memory_space<semaphore_mem>>
      %dma_start3A_177 = tpu.memref_squeeze %dma_start3A_176 : memref<1x!tpu.dma_semaphore, #tpu.memory_space<semaphore_mem>> -> memref<!tpu.dma_semaphore, #tpu.memory_space<semaphore_mem>>
      tpu.enqueue_indirect_dma source(%dma_start3A_169 : memref<128x32xf32, #tpu.memory_space<vmem>>) target(%dma_start3A_175 : memref<10112x32xf32, #tpu.memory_space<vmem_shared>>) offsets(%dma_start3A_172 : memref<128xi32, #tpu.memory_space<vmem>>) semaphore(%dma_start3A_177 : memref<!tpu.dma_semaphore, #tpu.memory_space<semaphore_mem>>) {add = true}
      %dma_start3A_178 = arith.constant 0 : i32
      %dma_start3A_179 = tpu.memref_slice %arg11[%add3A_149, %dma_start3A_178] : memref<80x128xi32, #tpu.memory_space<vmem>> -> memref<1x128xi32, #tpu.memory_space<vmem>>
      %dma_start3A_180 = tpu.memref_squeeze %dma_start3A_179 : memref<1x128xi32, #tpu.memory_space<vmem>> -> memref<128xi32, #tpu.memory_space<vmem>>
      %dma_start3A_181 = arith.constant 0 : i32
      %dma_start3A_182 = arith.constant 0 : i32
      %dma_start3A_183 = tpu.memref_slice %arg19[%dma_start3A_181, %dma_start3A_182] : memref<10112x8xf32, #tpu.memory_space<vmem_shared>> -> memref<10112x8xf32, #tpu.memory_space<vmem_shared>>
      tpu.enqueue_indirect_dma source(%arg18 : memref<128x8xf32, #tpu.memory_space<vmem>>) target(%dma_start3A_183 : memref<10112x8xf32, #tpu.memory_space<vmem_shared>>) offsets(%dma_start3A_180 : memref<128xi32, #tpu.memory_space<vmem>>) semaphore(%arg17 : memref<!tpu.dma_semaphore, #tpu.memory_space<semaphore_mem>>) {add = true}
      %dma_wait3A_184 = arith.constant 0 : i32
      %dma_wait3A_185 = arith.constant 0 : i32
      %dma_wait3A_186 = arith.constant 0 : i32
      %dma_wait3A_187 = arith.constant 0 : i32
      %dma_wait3A_188 = tpu.memref_slice %arg12[%dma_wait3A_184, %dma_wait3A_186, %dma_wait3A_187] : memref<4x128x32xf32, #tpu.memory_space<vmem>> -> memref<1x128x32xf32, #tpu.memory_space<vmem>>
      %dma_wait3A_189 = tpu.memref_squeeze %dma_wait3A_188 : memref<1x128x32xf32, #tpu.memory_space<vmem>> -> memref<128x32xf32, #tpu.memory_space<vmem>>
      %dma_wait3A_190 = arith.constant 0 : i32
      %dma_wait3A_191 = tpu.memref_slice %arg11[%add3A_149, %dma_wait3A_190] : memref<80x128xi32, #tpu.memory_space<vmem>> -> memref<1x128xi32, #tpu.memory_space<vmem>>
      %dma_wait3A_192 = tpu.memref_squeeze %dma_wait3A_191 : memref<1x128xi32, #tpu.memory_space<vmem>> -> memref<128xi32, #tpu.memory_space<vmem>>
      %dma_wait3A_193 = arith.constant 0 : i32
      %dma_wait3A_194 = arith.constant 0 : i32
      %dma_wait3A_195 = tpu.memref_slice %arg14[%dma_wait3A_193, %dma_wait3A_194] : memref<10112x32xf32, #tpu.memory_space<vmem_shared>> -> memref<10112x32xf32, #tpu.memory_space<vmem_shared>>
      %dma_wait3A_196 = tpu.memref_slice %arg16[%dma_wait3A_185] : memref<4x!tpu.dma_semaphore, #tpu.memory_space<semaphore_mem>> -> memref<1x!tpu.dma_semaphore, #tpu.memory_space<semaphore_mem>>
      %dma_wait3A_197 = tpu.memref_squeeze %dma_wait3A_196 : memref<1x!tpu.dma_semaphore, #tpu.memory_space<semaphore_mem>> -> memref<!tpu.dma_semaphore, #tpu.memory_space<semaphore_mem>>
      tpu.wait_indirect_dma semaphore(%dma_wait3A_197 : memref<!tpu.dma_semaphore, #tpu.memory_space<semaphore_mem>>) src(%dma_wait3A_189 : memref<128x32xf32, #tpu.memory_space<vmem>>) dst(%dma_wait3A_195 : memref<10112x32xf32, #tpu.memory_space<vmem_shared>>)
      %add3A_198 = arith.constant 4 : i32
      %add3A_199 = arith.addi %add3A_149, %add3A_198 : i32
      %rem3A = arith.constant 80 : i32
      %rem3A_200 = arith.remsi %add3A_199, %rem3A : i32
      %dma_start3A_201 = arith.constant 0 : i32
      %dma_start3A_202 = arith.constant 0 : i32
      %dma_start3A_203 = arith.constant 0 : i32
      %dma_start3A_204 = arith.constant 0 : i32
      %dma_start3A_205 = tpu.memref_slice %arg12[%dma_start3A_201, %dma_start3A_203, %dma_start3A_204] : memref<4x128x32xf32, #tpu.memory_space<vmem>> -> memref<1x128x32xf32, #tpu.memory_space<vmem>>
      %dma_start3A_206 = tpu.memref_squeeze %dma_start3A_205 : memref<1x128x32xf32, #tpu.memory_space<vmem>> -> memref<128x32xf32, #tpu.memory_space<vmem>>
      %dma_start3A_207 = arith.constant 0 : i32
      %dma_start3A_208 = tpu.memref_slice %arg10[%rem3A_200, %dma_start3A_207] : memref<80x128xi32, #tpu.memory_space<vmem>> -> memref<1x128xi32, #tpu.memory_space<vmem>>
      %dma_start3A_209 = tpu.memref_squeeze %dma_start3A_208 : memref<1x128xi32, #tpu.memory_space<vmem>> -> memref<128xi32, #tpu.memory_space<vmem>>
      %dma_start3A_210 = arith.constant 0 : i32
      %dma_start3A_211 = arith.constant 0 : i32
      %dma_start3A_212 = tpu.memref_slice %arg13[%dma_start3A_210, %dma_start3A_211] : memref<10112x32xf32, #tpu.memory_space<vmem_shared>> -> memref<10112x32xf32, #tpu.memory_space<vmem_shared>>
      %dma_start3A_213 = tpu.memref_slice %arg15[%dma_start3A_202] : memref<4x!tpu.dma_semaphore, #tpu.memory_space<semaphore_mem>> -> memref<1x!tpu.dma_semaphore, #tpu.memory_space<semaphore_mem>>
      %dma_start3A_214 = tpu.memref_squeeze %dma_start3A_213 : memref<1x!tpu.dma_semaphore, #tpu.memory_space<semaphore_mem>> -> memref<!tpu.dma_semaphore, #tpu.memory_space<semaphore_mem>>
      tpu.enqueue_indirect_dma source(%dma_start3A_212 : memref<10112x32xf32, #tpu.memory_space<vmem_shared>>) target(%dma_start3A_206 : memref<128x32xf32, #tpu.memory_space<vmem>>) offsets(%dma_start3A_209 : memref<128xi32, #tpu.memory_space<vmem>>) semaphore(%dma_start3A_214 : memref<!tpu.dma_semaphore, #tpu.memory_space<semaphore_mem>>)
      %dma_wait3A_215 = arith.constant 0 : i32
      %dma_wait3A_216 = tpu.memref_slice %arg11[%add3A_149, %dma_wait3A_215] : memref<80x128xi32, #tpu.memory_space<vmem>> -> memref<1x128xi32, #tpu.memory_space<vmem>>
      %dma_wait3A_217 = tpu.memref_squeeze %dma_wait3A_216 : memref<1x128xi32, #tpu.memory_space<vmem>> -> memref<128xi32, #tpu.memory_space<vmem>>
      %dma_wait3A_218 = arith.constant 0 : i32
      %dma_wait3A_219 = arith.constant 0 : i32
      %dma_wait3A_220 = tpu.memref_slice %arg19[%dma_wait3A_218, %dma_wait3A_219] : memref<10112x8xf32, #tpu.memory_space<vmem_shared>> -> memref<10112x8xf32, #tpu.memory_space<vmem_shared>>
      tpu.wait_indirect_dma semaphore(%arg17 : memref<!tpu.dma_semaphore, #tpu.memory_space<semaphore_mem>>) src(%arg18 : memref<128x8xf32, #tpu.memory_space<vmem>>) dst(%dma_wait3A_220 : memref<10112x8xf32, #tpu.memory_space<vmem_shared>>)
      %add3A_221 = arith.constant 1 : i32
      %add3A_222 = arith.addi %mul3A_147, %add3A_221 : i32
      %dma_wait3A_223 = arith.constant 1 : i32
      %dma_wait3A_224 = arith.constant 1 : i32
      %dma_wait3A_225 = arith.constant 0 : i32
      %dma_wait3A_226 = arith.constant 0 : i32
      %dma_wait3A_227 = tpu.memref_slice %arg12[%dma_wait3A_223, %dma_wait3A_225, %dma_wait3A_226] : memref<4x128x32xf32, #tpu.memory_space<vmem>> -> memref<1x128x32xf32, #tpu.memory_space<vmem>>
      %dma_wait3A_228 = tpu.memref_squeeze %dma_wait3A_227 : memref<1x128x32xf32, #tpu.memory_space<vmem>> -> memref<128x32xf32, #tpu.memory_space<vmem>>
      %dma_wait3A_229 = arith.constant 0 : i32
      %dma_wait3A_230 = tpu.memref_slice %arg10[%add3A_222, %dma_wait3A_229] : memref<80x128xi32, #tpu.memory_space<vmem>> -> memref<1x128xi32, #tpu.memory_space<vmem>>
      %dma_wait3A_231 = tpu.memref_squeeze %dma_wait3A_230 : memref<1x128xi32, #tpu.memory_space<vmem>> -> memref<128xi32, #tpu.memory_space<vmem>>
      %dma_wait3A_232 = arith.constant 0 : i32
      %dma_wait3A_233 = arith.constant 0 : i32
      %dma_wait3A_234 = tpu.memref_slice %arg13[%dma_wait3A_232, %dma_wait3A_233] : memref<10112x32xf32, #tpu.memory_space<vmem_shared>> -> memref<10112x32xf32, #tpu.memory_space<vmem_shared>>
      %dma_wait3A_235 = tpu.memref_slice %arg15[%dma_wait3A_224] : memref<4x!tpu.dma_semaphore, #tpu.memory_space<semaphore_mem>> -> memref<1x!tpu.dma_semaphore, #tpu.memory_space<semaphore_mem>>
      %dma_wait3A_236 = tpu.memref_squeeze %dma_wait3A_235 : memref<1x!tpu.dma_semaphore, #tpu.memory_space<semaphore_mem>> -> memref<!tpu.dma_semaphore, #tpu.memory_space<semaphore_mem>>
      tpu.wait_indirect_dma semaphore(%dma_wait3A_236 : memref<!tpu.dma_semaphore, #tpu.memory_space<semaphore_mem>>) src(%dma_wait3A_234 : memref<10112x32xf32, #tpu.memory_space<vmem_shared>>) dst(%dma_wait3A_228 : memref<128x32xf32, #tpu.memory_space<vmem>>)
      %dma_start3A_237 = arith.constant 1 : i32
      %dma_start3A_238 = arith.constant 1 : i32
      %dma_start3A_239 = arith.constant 0 : i32
      %dma_start3A_240 = arith.constant 0 : i32
      %dma_start3A_241 = tpu.memref_slice %arg12[%dma_start3A_237, %dma_start3A_239, %dma_start3A_240] : memref<4x128x32xf32, #tpu.memory_space<vmem>> -> memref<1x128x32xf32, #tpu.memory_space<vmem>>
      %dma_start3A_242 = tpu.memref_squeeze %dma_start3A_241 : memref<1x128x32xf32, #tpu.memory_space<vmem>> -> memref<128x32xf32, #tpu.memory_space<vmem>>
      %dma_start3A_243 = arith.constant 0 : i32
      %dma_start3A_244 = tpu.memref_slice %arg11[%add3A_222, %dma_start3A_243] : memref<80x128xi32, #tpu.memory_space<vmem>> -> memref<1x128xi32, #tpu.memory_space<vmem>>
      %dma_start3A_245 = tpu.memref_squeeze %dma_start3A_244 : memref<1x128xi32, #tpu.memory_space<vmem>> -> memref<128xi32, #tpu.memory_space<vmem>>
      %dma_start3A_246 = arith.constant 0 : i32
      %dma_start3A_247 = arith.constant 0 : i32
      %dma_start3A_248 = tpu.memref_slice %arg14[%dma_start3A_246, %dma_start3A_247] : memref<10112x32xf32, #tpu.memory_space<vmem_shared>> -> memref<10112x32xf32, #tpu.memory_space<vmem_shared>>
      %dma_start3A_249 = tpu.memref_slice %arg16[%dma_start3A_238] : memref<4x!tpu.dma_semaphore, #tpu.memory_space<semaphore_mem>> -> memref<1x!tpu.dma_semaphore, #tpu.memory_space<semaphore_mem>>
      %dma_start3A_250 = tpu.memref_squeeze %dma_start3A_249 : memref<1x!tpu.dma_semaphore, #tpu.memory_space<semaphore_mem>> -> memref<!tpu.dma_semaphore, #tpu.memory_space<semaphore_mem>>
      tpu.enqueue_indirect_dma source(%dma_start3A_242 : memref<128x32xf32, #tpu.memory_space<vmem>>) target(%dma_start3A_248 : memref<10112x32xf32, #tpu.memory_space<vmem_shared>>) offsets(%dma_start3A_245 : memref<128xi32, #tpu.memory_space<vmem>>) semaphore(%dma_start3A_250 : memref<!tpu.dma_semaphore, #tpu.memory_space<semaphore_mem>>) {add = true}
      %dma_start3A_251 = arith.constant 0 : i32
      %dma_start3A_252 = tpu.memref_slice %arg11[%add3A_222, %dma_start3A_251] : memref<80x128xi32, #tpu.memory_space<vmem>> -> memref<1x128xi32, #tpu.memory_space<vmem>>
      %dma_start3A_253 = tpu.memref_squeeze %dma_start3A_252 : memref<1x128xi32, #tpu.memory_space<vmem>> -> memref<128xi32, #tpu.memory_space<vmem>>
      %dma_start3A_254 = arith.constant 0 : i32
      %dma_start3A_255 = arith.constant 0 : i32
      %dma_start3A_256 = tpu.memref_slice %arg19[%dma_start3A_254, %dma_start3A_255] : memref<10112x8xf32, #tpu.memory_space<vmem_shared>> -> memref<10112x8xf32, #tpu.memory_space<vmem_shared>>
      tpu.enqueue_indirect_dma source(%arg18 : memref<128x8xf32, #tpu.memory_space<vmem>>) target(%dma_start3A_256 : memref<10112x8xf32, #tpu.memory_space<vmem_shared>>) offsets(%dma_start3A_253 : memref<128xi32, #tpu.memory_space<vmem>>) semaphore(%arg17 : memref<!tpu.dma_semaphore, #tpu.memory_space<semaphore_mem>>) {add = true}
      %dma_wait3A_257 = arith.constant 1 : i32
      %dma_wait3A_258 = arith.constant 1 : i32
      %dma_wait3A_259 = arith.constant 0 : i32
      %dma_wait3A_260 = arith.constant 0 : i32
      %dma_wait3A_261 = tpu.memref_slice %arg12[%dma_wait3A_257, %dma_wait3A_259, %dma_wait3A_260] : memref<4x128x32xf32, #tpu.memory_space<vmem>> -> memref<1x128x32xf32, #tpu.memory_space<vmem>>
      %dma_wait3A_262 = tpu.memref_squeeze %dma_wait3A_261 : memref<1x128x32xf32, #tpu.memory_space<vmem>> -> memref<128x32xf32, #tpu.memory_space<vmem>>
      %dma_wait3A_263 = arith.constant 0 : i32
      %dma_wait3A_264 = tpu.memref_slice %arg11[%add3A_222, %dma_wait3A_263] : memref<80x128xi32, #tpu.memory_space<vmem>> -> memref<1x128xi32, #tpu.memory_space<vmem>>
      %dma_wait3A_265 = tpu.memref_squeeze %dma_wait3A_264 : memref<1x128xi32, #tpu.memory_space<vmem>> -> memref<128xi32, #tpu.memory_space<vmem>>
      %dma_wait3A_266 = arith.constant 0 : i32
      %dma_wait3A_267 = arith.constant 0 : i32
      %dma_wait3A_268 = tpu.memref_slice %arg14[%dma_wait3A_266, %dma_wait3A_267] : memref<10112x32xf32, #tpu.memory_space<vmem_shared>> -> memref<10112x32xf32, #tpu.memory_space<vmem_shared>>
      %dma_wait3A_269 = tpu.memref_slice %arg16[%dma_wait3A_258] : memref<4x!tpu.dma_semaphore, #tpu.memory_space<semaphore_mem>> -> memref<1x!tpu.dma_semaphore, #tpu.memory_space<semaphore_mem>>
      %dma_wait3A_270 = tpu.memref_squeeze %dma_wait3A_269 : memref<1x!tpu.dma_semaphore, #tpu.memory_space<semaphore_mem>> -> memref<!tpu.dma_semaphore, #tpu.memory_space<semaphore_mem>>
      tpu.wait_indirect_dma semaphore(%dma_wait3A_270 : memref<!tpu.dma_semaphore, #tpu.memory_space<semaphore_mem>>) src(%dma_wait3A_262 : memref<128x32xf32, #tpu.memory_space<vmem>>) dst(%dma_wait3A_268 : memref<10112x32xf32, #tpu.memory_space<vmem_shared>>)
      %add3A_271 = arith.constant 4 : i32
      %add3A_272 = arith.addi %add3A_222, %add3A_271 : i32
      %rem3A_273 = arith.constant 80 : i32
      %rem3A_274 = arith.remsi %add3A_272, %rem3A_273 : i32
      %dma_start3A_275 = arith.constant 1 : i32
      %dma_start3A_276 = arith.constant 1 : i32
      %dma_start3A_277 = arith.constant 0 : i32
      %dma_start3A_278 = arith.constant 0 : i32
      %dma_start3A_279 = tpu.memref_slice %arg12[%dma_start3A_275, %dma_start3A_277, %dma_start3A_278] : memref<4x128x32xf32, #tpu.memory_space<vmem>> -> memref<1x128x32xf32, #tpu.memory_space<vmem>>
      %dma_start3A_280 = tpu.memref_squeeze %dma_start3A_279 : memref<1x128x32xf32, #tpu.memory_space<vmem>> -> memref<128x32xf32, #tpu.memory_space<vmem>>
      %dma_start3A_281 = arith.constant 0 : i32
      %dma_start3A_282 = tpu.memref_slice %arg10[%rem3A_274, %dma_start3A_281] : memref<80x128xi32, #tpu.memory_space<vmem>> -> memref<1x128xi32, #tpu.memory_space<vmem>>
      %dma_start3A_283 = tpu.memref_squeeze %dma_start3A_282 : memref<1x128xi32, #tpu.memory_space<vmem>> -> memref<128xi32, #tpu.memory_space<vmem>>
      %dma_start3A_284 = arith.constant 0 : i32
      %dma_start3A_285 = arith.constant 0 : i32
      %dma_start3A_286 = tpu.memref_slice %arg13[%dma_start3A_284, %dma_start3A_285] : memref<10112x32xf32, #tpu.memory_space<vmem_shared>> -> memref<10112x32xf32, #tpu.memory_space<vmem_shared>>
      %dma_start3A_287 = tpu.memref_slice %arg15[%dma_start3A_276] : memref<4x!tpu.dma_semaphore, #tpu.memory_space<semaphore_mem>> -> memref<1x!tpu.dma_semaphore, #tpu.memory_space<semaphore_mem>>
      %dma_start3A_288 = tpu.memref_squeeze %dma_start3A_287 : memref<1x!tpu.dma_semaphore, #tpu.memory_space<semaphore_mem>> -> memref<!tpu.dma_semaphore, #tpu.memory_space<semaphore_mem>>
      tpu.enqueue_indirect_dma source(%dma_start3A_286 : memref<10112x32xf32, #tpu.memory_space<vmem_shared>>) target(%dma_start3A_280 : memref<128x32xf32, #tpu.memory_space<vmem>>) offsets(%dma_start3A_283 : memref<128xi32, #tpu.memory_space<vmem>>) semaphore(%dma_start3A_288 : memref<!tpu.dma_semaphore, #tpu.memory_space<semaphore_mem>>)
      %dma_wait3A_289 = arith.constant 0 : i32
      %dma_wait3A_290 = tpu.memref_slice %arg11[%add3A_222, %dma_wait3A_289] : memref<80x128xi32, #tpu.memory_space<vmem>> -> memref<1x128xi32, #tpu.memory_space<vmem>>
      %dma_wait3A_291 = tpu.memref_squeeze %dma_wait3A_290 : memref<1x128xi32, #tpu.memory_space<vmem>> -> memref<128xi32, #tpu.memory_space<vmem>>
      %dma_wait3A_292 = arith.constant 0 : i32
      %dma_wait3A_293 = arith.constant 0 : i32
      %dma_wait3A_294 = tpu.memref_slice %arg19[%dma_wait3A_292, %dma_wait3A_293] : memref<10112x8xf32, #tpu.memory_space<vmem_shared>> -> memref<10112x8xf32, #tpu.memory_space<vmem_shared>>
      tpu.wait_indirect_dma semaphore(%arg17 : memref<!tpu.dma_semaphore, #tpu.memory_space<semaphore_mem>>) src(%arg18 : memref<128x8xf32, #tpu.memory_space<vmem>>) dst(%dma_wait3A_294 : memref<10112x8xf32, #tpu.memory_space<vmem_shared>>)
      %add3A_295 = arith.constant 2 : i32
      %add3A_296 = arith.addi %mul3A_147, %add3A_295 : i32
      %dma_wait3A_297 = arith.constant 2 : i32
      %dma_wait3A_298 = arith.constant 2 : i32
      %dma_wait3A_299 = arith.constant 0 : i32
      %dma_wait3A_300 = arith.constant 0 : i32
      %dma_wait3A_301 = tpu.memref_slice %arg12[%dma_wait3A_297, %dma_wait3A_299, %dma_wait3A_300] : memref<4x128x32xf32, #tpu.memory_space<vmem>> -> memref<1x128x32xf32, #tpu.memory_space<vmem>>
      %dma_wait3A_302 = tpu.memref_squeeze %dma_wait3A_301 : memref<1x128x32xf32, #tpu.memory_space<vmem>> -> memref<128x32xf32, #tpu.memory_space<vmem>>
      %dma_wait3A_303 = arith.constant 0 : i32
      %dma_wait3A_304 = tpu.memref_slice %arg10[%add3A_296, %dma_wait3A_303] : memref<80x128xi32, #tpu.memory_space<vmem>> -> memref<1x128xi32, #tpu.memory_space<vmem>>
      %dma_wait3A_305 = tpu.memref_squeeze %dma_wait3A_304 : memref<1x128xi32, #tpu.memory_space<vmem>> -> memref<128xi32, #tpu.memory_space<vmem>>
      %dma_wait3A_306 = arith.constant 0 : i32
      %dma_wait3A_307 = arith.constant 0 : i32
      %dma_wait3A_308 = tpu.memref_slice %arg13[%dma_wait3A_306, %dma_wait3A_307] : memref<10112x32xf32, #tpu.memory_space<vmem_shared>> -> memref<10112x32xf32, #tpu.memory_space<vmem_shared>>
      %dma_wait3A_309 = tpu.memref_slice %arg15[%dma_wait3A_298] : memref<4x!tpu.dma_semaphore, #tpu.memory_space<semaphore_mem>> -> memref<1x!tpu.dma_semaphore, #tpu.memory_space<semaphore_mem>>
      %dma_wait3A_310 = tpu.memref_squeeze %dma_wait3A_309 : memref<1x!tpu.dma_semaphore, #tpu.memory_space<semaphore_mem>> -> memref<!tpu.dma_semaphore, #tpu.memory_space<semaphore_mem>>
      tpu.wait_indirect_dma semaphore(%dma_wait3A_310 : memref<!tpu.dma_semaphore, #tpu.memory_space<semaphore_mem>>) src(%dma_wait3A_308 : memref<10112x32xf32, #tpu.memory_space<vmem_shared>>) dst(%dma_wait3A_302 : memref<128x32xf32, #tpu.memory_space<vmem>>)
      %dma_start3A_311 = arith.constant 2 : i32
      %dma_start3A_312 = arith.constant 2 : i32
      %dma_start3A_313 = arith.constant 0 : i32
      %dma_start3A_314 = arith.constant 0 : i32
      %dma_start3A_315 = tpu.memref_slice %arg12[%dma_start3A_311, %dma_start3A_313, %dma_start3A_314] : memref<4x128x32xf32, #tpu.memory_space<vmem>> -> memref<1x128x32xf32, #tpu.memory_space<vmem>>
      %dma_start3A_316 = tpu.memref_squeeze %dma_start3A_315 : memref<1x128x32xf32, #tpu.memory_space<vmem>> -> memref<128x32xf32, #tpu.memory_space<vmem>>
      %dma_start3A_317 = arith.constant 0 : i32
      %dma_start3A_318 = tpu.memref_slice %arg11[%add3A_296, %dma_start3A_317] : memref<80x128xi32, #tpu.memory_space<vmem>> -> memref<1x128xi32, #tpu.memory_space<vmem>>
      %dma_start3A_319 = tpu.memref_squeeze %dma_start3A_318 : memref<1x128xi32, #tpu.memory_space<vmem>> -> memref<128xi32, #tpu.memory_space<vmem>>
      %dma_start3A_320 = arith.constant 0 : i32
      %dma_start3A_321 = arith.constant 0 : i32
      %dma_start3A_322 = tpu.memref_slice %arg14[%dma_start3A_320, %dma_start3A_321] : memref<10112x32xf32, #tpu.memory_space<vmem_shared>> -> memref<10112x32xf32, #tpu.memory_space<vmem_shared>>
      %dma_start3A_323 = tpu.memref_slice %arg16[%dma_start3A_312] : memref<4x!tpu.dma_semaphore, #tpu.memory_space<semaphore_mem>> -> memref<1x!tpu.dma_semaphore, #tpu.memory_space<semaphore_mem>>
      %dma_start3A_324 = tpu.memref_squeeze %dma_start3A_323 : memref<1x!tpu.dma_semaphore, #tpu.memory_space<semaphore_mem>> -> memref<!tpu.dma_semaphore, #tpu.memory_space<semaphore_mem>>
      tpu.enqueue_indirect_dma source(%dma_start3A_316 : memref<128x32xf32, #tpu.memory_space<vmem>>) target(%dma_start3A_322 : memref<10112x32xf32, #tpu.memory_space<vmem_shared>>) offsets(%dma_start3A_319 : memref<128xi32, #tpu.memory_space<vmem>>) semaphore(%dma_start3A_324 : memref<!tpu.dma_semaphore, #tpu.memory_space<semaphore_mem>>) {add = true}
      %dma_start3A_325 = arith.constant 0 : i32
      %dma_start3A_326 = tpu.memref_slice %arg11[%add3A_296, %dma_start3A_325] : memref<80x128xi32, #tpu.memory_space<vmem>> -> memref<1x128xi32, #tpu.memory_space<vmem>>
      %dma_start3A_327 = tpu.memref_squeeze %dma_start3A_326 : memref<1x128xi32, #tpu.memory_space<vmem>> -> memref<128xi32, #tpu.memory_space<vmem>>
      %dma_start3A_328 = arith.constant 0 : i32
      %dma_start3A_329 = arith.constant 0 : i32
      %dma_start3A_330 = tpu.memref_slice %arg19[%dma_start3A_328, %dma_start3A_329] : memref<10112x8xf32, #tpu.memory_space<vmem_shared>> -> memref<10112x8xf32, #tpu.memory_space<vmem_shared>>
      tpu.enqueue_indirect_dma source(%arg18 : memref<128x8xf32, #tpu.memory_space<vmem>>) target(%dma_start3A_330 : memref<10112x8xf32, #tpu.memory_space<vmem_shared>>) offsets(%dma_start3A_327 : memref<128xi32, #tpu.memory_space<vmem>>) semaphore(%arg17 : memref<!tpu.dma_semaphore, #tpu.memory_space<semaphore_mem>>) {add = true}
      %dma_wait3A_331 = arith.constant 2 : i32
      %dma_wait3A_332 = arith.constant 2 : i32
      %dma_wait3A_333 = arith.constant 0 : i32
      %dma_wait3A_334 = arith.constant 0 : i32
      %dma_wait3A_335 = tpu.memref_slice %arg12[%dma_wait3A_331, %dma_wait3A_333, %dma_wait3A_334] : memref<4x128x32xf32, #tpu.memory_space<vmem>> -> memref<1x128x32xf32, #tpu.memory_space<vmem>>
      %dma_wait3A_336 = tpu.memref_squeeze %dma_wait3A_335 : memref<1x128x32xf32, #tpu.memory_space<vmem>> -> memref<128x32xf32, #tpu.memory_space<vmem>>
      %dma_wait3A_337 = arith.constant 0 : i32
      %dma_wait3A_338 = tpu.memref_slice %arg11[%add3A_296, %dma_wait3A_337] : memref<80x128xi32, #tpu.memory_space<vmem>> -> memref<1x128xi32, #tpu.memory_space<vmem>>
      %dma_wait3A_339 = tpu.memref_squeeze %dma_wait3A_338 : memref<1x128xi32, #tpu.memory_space<vmem>> -> memref<128xi32, #tpu.memory_space<vmem>>
      %dma_wait3A_340 = arith.constant 0 : i32
      %dma_wait3A_341 = arith.constant 0 : i32
      %dma_wait3A_342 = tpu.memref_slice %arg14[%dma_wait3A_340, %dma_wait3A_341] : memref<10112x32xf32, #tpu.memory_space<vmem_shared>> -> memref<10112x32xf32, #tpu.memory_space<vmem_shared>>
      %dma_wait3A_343 = tpu.memref_slice %arg16[%dma_wait3A_332] : memref<4x!tpu.dma_semaphore, #tpu.memory_space<semaphore_mem>> -> memref<1x!tpu.dma_semaphore, #tpu.memory_space<semaphore_mem>>
      %dma_wait3A_344 = tpu.memref_squeeze %dma_wait3A_343 : memref<1x!tpu.dma_semaphore, #tpu.memory_space<semaphore_mem>> -> memref<!tpu.dma_semaphore, #tpu.memory_space<semaphore_mem>>
      tpu.wait_indirect_dma semaphore(%dma_wait3A_344 : memref<!tpu.dma_semaphore, #tpu.memory_space<semaphore_mem>>) src(%dma_wait3A_336 : memref<128x32xf32, #tpu.memory_space<vmem>>) dst(%dma_wait3A_342 : memref<10112x32xf32, #tpu.memory_space<vmem_shared>>)
      %add3A_345 = arith.constant 4 : i32
      %add3A_346 = arith.addi %add3A_296, %add3A_345 : i32
      %rem3A_347 = arith.constant 80 : i32
      %rem3A_348 = arith.remsi %add3A_346, %rem3A_347 : i32
      %dma_start3A_349 = arith.constant 2 : i32
      %dma_start3A_350 = arith.constant 2 : i32
      %dma_start3A_351 = arith.constant 0 : i32
      %dma_start3A_352 = arith.constant 0 : i32
      %dma_start3A_353 = tpu.memref_slice %arg12[%dma_start3A_349, %dma_start3A_351, %dma_start3A_352] : memref<4x128x32xf32, #tpu.memory_space<vmem>> -> memref<1x128x32xf32, #tpu.memory_space<vmem>>
      %dma_start3A_354 = tpu.memref_squeeze %dma_start3A_353 : memref<1x128x32xf32, #tpu.memory_space<vmem>> -> memref<128x32xf32, #tpu.memory_space<vmem>>
      %dma_start3A_355 = arith.constant 0 : i32
      %dma_start3A_356 = tpu.memref_slice %arg10[%rem3A_348, %dma_start3A_355] : memref<80x128xi32, #tpu.memory_space<vmem>> -> memref<1x128xi32, #tpu.memory_space<vmem>>
      %dma_start3A_357 = tpu.memref_squeeze %dma_start3A_356 : memref<1x128xi32, #tpu.memory_space<vmem>> -> memref<128xi32, #tpu.memory_space<vmem>>
      %dma_start3A_358 = arith.constant 0 : i32
      %dma_start3A_359 = arith.constant 0 : i32
      %dma_start3A_360 = tpu.memref_slice %arg13[%dma_start3A_358, %dma_start3A_359] : memref<10112x32xf32, #tpu.memory_space<vmem_shared>> -> memref<10112x32xf32, #tpu.memory_space<vmem_shared>>
      %dma_start3A_361 = tpu.memref_slice %arg15[%dma_start3A_350] : memref<4x!tpu.dma_semaphore, #tpu.memory_space<semaphore_mem>> -> memref<1x!tpu.dma_semaphore, #tpu.memory_space<semaphore_mem>>
      %dma_start3A_362 = tpu.memref_squeeze %dma_start3A_361 : memref<1x!tpu.dma_semaphore, #tpu.memory_space<semaphore_mem>> -> memref<!tpu.dma_semaphore, #tpu.memory_space<semaphore_mem>>
      tpu.enqueue_indirect_dma source(%dma_start3A_360 : memref<10112x32xf32, #tpu.memory_space<vmem_shared>>) target(%dma_start3A_354 : memref<128x32xf32, #tpu.memory_space<vmem>>) offsets(%dma_start3A_357 : memref<128xi32, #tpu.memory_space<vmem>>) semaphore(%dma_start3A_362 : memref<!tpu.dma_semaphore, #tpu.memory_space<semaphore_mem>>)
      %dma_wait3A_363 = arith.constant 0 : i32
      %dma_wait3A_364 = tpu.memref_slice %arg11[%add3A_296, %dma_wait3A_363] : memref<80x128xi32, #tpu.memory_space<vmem>> -> memref<1x128xi32, #tpu.memory_space<vmem>>
      %dma_wait3A_365 = tpu.memref_squeeze %dma_wait3A_364 : memref<1x128xi32, #tpu.memory_space<vmem>> -> memref<128xi32, #tpu.memory_space<vmem>>
      %dma_wait3A_366 = arith.constant 0 : i32
      %dma_wait3A_367 = arith.constant 0 : i32
      %dma_wait3A_368 = tpu.memref_slice %arg19[%dma_wait3A_366, %dma_wait3A_367] : memref<10112x8xf32, #tpu.memory_space<vmem_shared>> -> memref<10112x8xf32, #tpu.memory_space<vmem_shared>>
      tpu.wait_indirect_dma semaphore(%arg17 : memref<!tpu.dma_semaphore, #tpu.memory_space<semaphore_mem>>) src(%arg18 : memref<128x8xf32, #tpu.memory_space<vmem>>) dst(%dma_wait3A_368 : memref<10112x8xf32, #tpu.memory_space<vmem_shared>>)
      %add3A_369 = arith.constant 3 : i32
      %add3A_370 = arith.addi %mul3A_147, %add3A_369 : i32
      %dma_wait3A_371 = arith.constant 3 : i32
      %dma_wait3A_372 = arith.constant 3 : i32
      %dma_wait3A_373 = arith.constant 0 : i32
      %dma_wait3A_374 = arith.constant 0 : i32
      %dma_wait3A_375 = tpu.memref_slice %arg12[%dma_wait3A_371, %dma_wait3A_373, %dma_wait3A_374] : memref<4x128x32xf32, #tpu.memory_space<vmem>> -> memref<1x128x32xf32, #tpu.memory_space<vmem>>
      %dma_wait3A_376 = tpu.memref_squeeze %dma_wait3A_375 : memref<1x128x32xf32, #tpu.memory_space<vmem>> -> memref<128x32xf32, #tpu.memory_space<vmem>>
      %dma_wait3A_377 = arith.constant 0 : i32
      %dma_wait3A_378 = tpu.memref_slice %arg10[%add3A_370, %dma_wait3A_377] : memref<80x128xi32, #tpu.memory_space<vmem>> -> memref<1x128xi32, #tpu.memory_space<vmem>>
      %dma_wait3A_379 = tpu.memref_squeeze %dma_wait3A_378 : memref<1x128xi32, #tpu.memory_space<vmem>> -> memref<128xi32, #tpu.memory_space<vmem>>
      %dma_wait3A_380 = arith.constant 0 : i32
      %dma_wait3A_381 = arith.constant 0 : i32
      %dma_wait3A_382 = tpu.memref_slice %arg13[%dma_wait3A_380, %dma_wait3A_381] : memref<10112x32xf32, #tpu.memory_space<vmem_shared>> -> memref<10112x32xf32, #tpu.memory_space<vmem_shared>>
      %dma_wait3A_383 = tpu.memref_slice %arg15[%dma_wait3A_372] : memref<4x!tpu.dma_semaphore, #tpu.memory_space<semaphore_mem>> -> memref<1x!tpu.dma_semaphore, #tpu.memory_space<semaphore_mem>>
      %dma_wait3A_384 = tpu.memref_squeeze %dma_wait3A_383 : memref<1x!tpu.dma_semaphore, #tpu.memory_space<semaphore_mem>> -> memref<!tpu.dma_semaphore, #tpu.memory_space<semaphore_mem>>
      tpu.wait_indirect_dma semaphore(%dma_wait3A_384 : memref<!tpu.dma_semaphore, #tpu.memory_space<semaphore_mem>>) src(%dma_wait3A_382 : memref<10112x32xf32, #tpu.memory_space<vmem_shared>>) dst(%dma_wait3A_376 : memref<128x32xf32, #tpu.memory_space<vmem>>)
      %dma_start3A_385 = arith.constant 3 : i32
      %dma_start3A_386 = arith.constant 3 : i32
      %dma_start3A_387 = arith.constant 0 : i32
      %dma_start3A_388 = arith.constant 0 : i32
      %dma_start3A_389 = tpu.memref_slice %arg12[%dma_start3A_385, %dma_start3A_387, %dma_start3A_388] : memref<4x128x32xf32, #tpu.memory_space<vmem>> -> memref<1x128x32xf32, #tpu.memory_space<vmem>>
      %dma_start3A_390 = tpu.memref_squeeze %dma_start3A_389 : memref<1x128x32xf32, #tpu.memory_space<vmem>> -> memref<128x32xf32, #tpu.memory_space<vmem>>
      %dma_start3A_391 = arith.constant 0 : i32
      %dma_start3A_392 = tpu.memref_slice %arg11[%add3A_370, %dma_start3A_391] : memref<80x128xi32, #tpu.memory_space<vmem>> -> memref<1x128xi32, #tpu.memory_space<vmem>>
      %dma_start3A_393 = tpu.memref_squeeze %dma_start3A_392 : memref<1x128xi32, #tpu.memory_space<vmem>> -> memref<128xi32, #tpu.memory_space<vmem>>
      %dma_start3A_394 = arith.constant 0 : i32
      %dma_start3A_395 = arith.constant 0 : i32
      %dma_start3A_396 = tpu.memref_slice %arg14[%dma_start3A_394, %dma_start3A_395] : memref<10112x32xf32, #tpu.memory_space<vmem_shared>> -> memref<10112x32xf32, #tpu.memory_space<vmem_shared>>
      %dma_start3A_397 = tpu.memref_slice %arg16[%dma_start3A_386] : memref<4x!tpu.dma_semaphore, #tpu.memory_space<semaphore_mem>> -> memref<1x!tpu.dma_semaphore, #tpu.memory_space<semaphore_mem>>
      %dma_start3A_398 = tpu.memref_squeeze %dma_start3A_397 : memref<1x!tpu.dma_semaphore, #tpu.memory_space<semaphore_mem>> -> memref<!tpu.dma_semaphore, #tpu.memory_space<semaphore_mem>>
      tpu.enqueue_indirect_dma source(%dma_start3A_390 : memref<128x32xf32, #tpu.memory_space<vmem>>) target(%dma_start3A_396 : memref<10112x32xf32, #tpu.memory_space<vmem_shared>>) offsets(%dma_start3A_393 : memref<128xi32, #tpu.memory_space<vmem>>) semaphore(%dma_start3A_398 : memref<!tpu.dma_semaphore, #tpu.memory_space<semaphore_mem>>) {add = true}
      %dma_start3A_399 = arith.constant 0 : i32
      %dma_start3A_400 = tpu.memref_slice %arg11[%add3A_370, %dma_start3A_399] : memref<80x128xi32, #tpu.memory_space<vmem>> -> memref<1x128xi32, #tpu.memory_space<vmem>>
      %dma_start3A_401 = tpu.memref_squeeze %dma_start3A_400 : memref<1x128xi32, #tpu.memory_space<vmem>> -> memref<128xi32, #tpu.memory_space<vmem>>
      %dma_start3A_402 = arith.constant 0 : i32
      %dma_start3A_403 = arith.constant 0 : i32
      %dma_start3A_404 = tpu.memref_slice %arg19[%dma_start3A_402, %dma_start3A_403] : memref<10112x8xf32, #tpu.memory_space<vmem_shared>> -> memref<10112x8xf32, #tpu.memory_space<vmem_shared>>
      tpu.enqueue_indirect_dma source(%arg18 : memref<128x8xf32, #tpu.memory_space<vmem>>) target(%dma_start3A_404 : memref<10112x8xf32, #tpu.memory_space<vmem_shared>>) offsets(%dma_start3A_401 : memref<128xi32, #tpu.memory_space<vmem>>) semaphore(%arg17 : memref<!tpu.dma_semaphore, #tpu.memory_space<semaphore_mem>>) {add = true}
      %dma_wait3A_405 = arith.constant 3 : i32
      %dma_wait3A_406 = arith.constant 3 : i32
      %dma_wait3A_407 = arith.constant 0 : i32
      %dma_wait3A_408 = arith.constant 0 : i32
      %dma_wait3A_409 = tpu.memref_slice %arg12[%dma_wait3A_405, %dma_wait3A_407, %dma_wait3A_408] : memref<4x128x32xf32, #tpu.memory_space<vmem>> -> memref<1x128x32xf32, #tpu.memory_space<vmem>>
      %dma_wait3A_410 = tpu.memref_squeeze %dma_wait3A_409 : memref<1x128x32xf32, #tpu.memory_space<vmem>> -> memref<128x32xf32, #tpu.memory_space<vmem>>
      %dma_wait3A_411 = arith.constant 0 : i32
      %dma_wait3A_412 = tpu.memref_slice %arg11[%add3A_370, %dma_wait3A_411] : memref<80x128xi32, #tpu.memory_space<vmem>> -> memref<1x128xi32, #tpu.memory_space<vmem>>
      %dma_wait3A_413 = tpu.memref_squeeze %dma_wait3A_412 : memref<1x128xi32, #tpu.memory_space<vmem>> -> memref<128xi32, #tpu.memory_space<vmem>>
      %dma_wait3A_414 = arith.constant 0 : i32
      %dma_wait3A_415 = arith.constant 0 : i32
      %dma_wait3A_416 = tpu.memref_slice %arg14[%dma_wait3A_414, %dma_wait3A_415] : memref<10112x32xf32, #tpu.memory_space<vmem_shared>> -> memref<10112x32xf32, #tpu.memory_space<vmem_shared>>
      %dma_wait3A_417 = tpu.memref_slice %arg16[%dma_wait3A_406] : memref<4x!tpu.dma_semaphore, #tpu.memory_space<semaphore_mem>> -> memref<1x!tpu.dma_semaphore, #tpu.memory_space<semaphore_mem>>
      %dma_wait3A_418 = tpu.memref_squeeze %dma_wait3A_417 : memref<1x!tpu.dma_semaphore, #tpu.memory_space<semaphore_mem>> -> memref<!tpu.dma_semaphore, #tpu.memory_space<semaphore_mem>>
      tpu.wait_indirect_dma semaphore(%dma_wait3A_418 : memref<!tpu.dma_semaphore, #tpu.memory_space<semaphore_mem>>) src(%dma_wait3A_410 : memref<128x32xf32, #tpu.memory_space<vmem>>) dst(%dma_wait3A_416 : memref<10112x32xf32, #tpu.memory_space<vmem_shared>>)
      %add3A_419 = arith.constant 4 : i32
      %add3A_420 = arith.addi %add3A_370, %add3A_419 : i32
      %rem3A_421 = arith.constant 80 : i32
      %rem3A_422 = arith.remsi %add3A_420, %rem3A_421 : i32
      %dma_start3A_423 = arith.constant 3 : i32
      %dma_start3A_424 = arith.constant 3 : i32
      %dma_start3A_425 = arith.constant 0 : i32
      %dma_start3A_426 = arith.constant 0 : i32
      %dma_start3A_427 = tpu.memref_slice %arg12[%dma_start3A_423, %dma_start3A_425, %dma_start3A_426] : memref<4x128x32xf32, #tpu.memory_space<vmem>> -> memref<1x128x32xf32, #tpu.memory_space<vmem>>
      %dma_start3A_428 = tpu.memref_squeeze %dma_start3A_427 : memref<1x128x32xf32, #tpu.memory_space<vmem>> -> memref<128x32xf32, #tpu.memory_space<vmem>>
      %dma_start3A_429 = arith.constant 0 : i32
      %dma_start3A_430 = tpu.memref_slice %arg10[%rem3A_422, %dma_start3A_429] : memref<80x128xi32, #tpu.memory_space<vmem>> -> memref<1x128xi32, #tpu.memory_space<vmem>>
      %dma_start3A_431 = tpu.memref_squeeze %dma_start3A_430 : memref<1x128xi32, #tpu.memory_space<vmem>> -> memref<128xi32, #tpu.memory_space<vmem>>
      %dma_start3A_432 = arith.constant 0 : i32
      %dma_start3A_433 = arith.constant 0 : i32
      %dma_start3A_434 = tpu.memref_slice %arg13[%dma_start3A_432, %dma_start3A_433] : memref<10112x32xf32, #tpu.memory_space<vmem_shared>> -> memref<10112x32xf32, #tpu.memory_space<vmem_shared>>
      %dma_start3A_435 = tpu.memref_slice %arg15[%dma_start3A_424] : memref<4x!tpu.dma_semaphore, #tpu.memory_space<semaphore_mem>> -> memref<1x!tpu.dma_semaphore, #tpu.memory_space<semaphore_mem>>
      %dma_start3A_436 = tpu.memref_squeeze %dma_start3A_435 : memref<1x!tpu.dma_semaphore, #tpu.memory_space<semaphore_mem>> -> memref<!tpu.dma_semaphore, #tpu.memory_space<semaphore_mem>>
      tpu.enqueue_indirect_dma source(%dma_start3A_434 : memref<10112x32xf32, #tpu.memory_space<vmem_shared>>) target(%dma_start3A_428 : memref<128x32xf32, #tpu.memory_space<vmem>>) offsets(%dma_start3A_431 : memref<128xi32, #tpu.memory_space<vmem>>) semaphore(%dma_start3A_436 : memref<!tpu.dma_semaphore, #tpu.memory_space<semaphore_mem>>)
      %dma_wait3A_437 = arith.constant 0 : i32
      %dma_wait3A_438 = tpu.memref_slice %arg11[%add3A_370, %dma_wait3A_437] : memref<80x128xi32, #tpu.memory_space<vmem>> -> memref<1x128xi32, #tpu.memory_space<vmem>>
      %dma_wait3A_439 = tpu.memref_squeeze %dma_wait3A_438 : memref<1x128xi32, #tpu.memory_space<vmem>> -> memref<128xi32, #tpu.memory_space<vmem>>
      %dma_wait3A_440 = arith.constant 0 : i32
      %dma_wait3A_441 = arith.constant 0 : i32
      %dma_wait3A_442 = tpu.memref_slice %arg19[%dma_wait3A_440, %dma_wait3A_441] : memref<10112x8xf32, #tpu.memory_space<vmem_shared>> -> memref<10112x8xf32, #tpu.memory_space<vmem_shared>>
      tpu.wait_indirect_dma semaphore(%arg17 : memref<!tpu.dma_semaphore, #tpu.memory_space<semaphore_mem>>) src(%arg18 : memref<128x8xf32, #tpu.memory_space<vmem>>) dst(%dma_wait3A_442 : memref<10112x8xf32, #tpu.memory_space<vmem_shared>>)
    }
    %scan3A_76 = arith.constant 20 : i32
    %dma_wait3A = arith.constant 0 : i32
    %dma_wait3A_77 = arith.constant 0 : i32
    %dma_wait3A_78 = arith.constant 0 : i32
    %dma_wait3A_79 = arith.constant 0 : i32
    %dma_wait3A_80 = arith.constant 0 : i32
    %dma_wait3A_81 = tpu.memref_slice %arg12[%dma_wait3A_77, %dma_wait3A_79, %dma_wait3A_80] : memref<4x128x32xf32, #tpu.memory_space<vmem>> -> memref<1x128x32xf32, #tpu.memory_space<vmem>>
    %dma_wait3A_82 = tpu.memref_squeeze %dma_wait3A_81 : memref<1x128x32xf32, #tpu.memory_space<vmem>> -> memref<128x32xf32, #tpu.memory_space<vmem>>
    %dma_wait3A_83 = arith.constant 0 : i32
    %dma_wait3A_84 = tpu.memref_slice %arg10[%dma_wait3A, %dma_wait3A_83] : memref<80x128xi32, #tpu.memory_space<vmem>> -> memref<1x128xi32, #tpu.memory_space<vmem>>
    %dma_wait3A_85 = tpu.memref_squeeze %dma_wait3A_84 : memref<1x128xi32, #tpu.memory_space<vmem>> -> memref<128xi32, #tpu.memory_space<vmem>>
    %dma_wait3A_86 = arith.constant 0 : i32
    %dma_wait3A_87 = arith.constant 0 : i32
    %dma_wait3A_88 = tpu.memref_slice %arg13[%dma_wait3A_86, %dma_wait3A_87] : memref<10112x32xf32, #tpu.memory_space<vmem_shared>> -> memref<10112x32xf32, #tpu.memory_space<vmem_shared>>
    %dma_wait3A_89 = tpu.memref_slice %arg15[%dma_wait3A_78] : memref<4x!tpu.dma_semaphore, #tpu.memory_space<semaphore_mem>> -> memref<1x!tpu.dma_semaphore, #tpu.memory_space<semaphore_mem>>
    %dma_wait3A_90 = tpu.memref_squeeze %dma_wait3A_89 : memref<1x!tpu.dma_semaphore, #tpu.memory_space<semaphore_mem>> -> memref<!tpu.dma_semaphore, #tpu.memory_space<semaphore_mem>>
    tpu.wait_indirect_dma semaphore(%dma_wait3A_90 : memref<!tpu.dma_semaphore, #tpu.memory_space<semaphore_mem>>) src(%dma_wait3A_88 : memref<10112x32xf32, #tpu.memory_space<vmem_shared>>) dst(%dma_wait3A_82 : memref<128x32xf32, #tpu.memory_space<vmem>>)
    %dma_wait3A_91 = arith.constant 1 : i32
    %dma_wait3A_92 = arith.constant 1 : i32
    %dma_wait3A_93 = arith.constant 1 : i32
    %dma_wait3A_94 = arith.constant 0 : i32
    %dma_wait3A_95 = arith.constant 0 : i32
    %dma_wait3A_96 = tpu.memref_slice %arg12[%dma_wait3A_92, %dma_wait3A_94, %dma_wait3A_95] : memref<4x128x32xf32, #tpu.memory_space<vmem>> -> memref<1x128x32xf32, #tpu.memory_space<vmem>>
    %dma_wait3A_97 = tpu.memref_squeeze %dma_wait3A_96 : memref<1x128x32xf32, #tpu.memory_space<vmem>> -> memref<128x32xf32, #tpu.memory_space<vmem>>
    %dma_wait3A_98 = arith.constant 0 : i32
    %dma_wait3A_99 = tpu.memref_slice %arg10[%dma_wait3A_91, %dma_wait3A_98] : memref<80x128xi32, #tpu.memory_space<vmem>> -> memref<1x128xi32, #tpu.memory_space<vmem>>
    %dma_wait3A_100 = tpu.memref_squeeze %dma_wait3A_99 : memref<1x128xi32, #tpu.memory_space<vmem>> -> memref<128xi32, #tpu.memory_space<vmem>>
    %dma_wait3A_101 = arith.constant 0 : i32
    %dma_wait3A_102 = arith.constant 0 : i32
    %dma_wait3A_103 = tpu.memref_slice %arg13[%dma_wait3A_101, %dma_wait3A_102] : memref<10112x32xf32, #tpu.memory_space<vmem_shared>> -> memref<10112x32xf32, #tpu.memory_space<vmem_shared>>
    %dma_wait3A_104 = tpu.memref_slice %arg15[%dma_wait3A_93] : memref<4x!tpu.dma_semaphore, #tpu.memory_space<semaphore_mem>> -> memref<1x!tpu.dma_semaphore, #tpu.memory_space<semaphore_mem>>
    %dma_wait3A_105 = tpu.memref_squeeze %dma_wait3A_104 : memref<1x!tpu.dma_semaphore, #tpu.memory_space<semaphore_mem>> -> memref<!tpu.dma_semaphore, #tpu.memory_space<semaphore_mem>>
    tpu.wait_indirect_dma semaphore(%dma_wait3A_105 : memref<!tpu.dma_semaphore, #tpu.memory_space<semaphore_mem>>) src(%dma_wait3A_103 : memref<10112x32xf32, #tpu.memory_space<vmem_shared>>) dst(%dma_wait3A_97 : memref<128x32xf32, #tpu.memory_space<vmem>>)
    %dma_wait3A_106 = arith.constant 2 : i32
    %dma_wait3A_107 = arith.constant 2 : i32
    %dma_wait3A_108 = arith.constant 2 : i32
    %dma_wait3A_109 = arith.constant 0 : i32
    %dma_wait3A_110 = arith.constant 0 : i32
    %dma_wait3A_111 = tpu.memref_slice %arg12[%dma_wait3A_107, %dma_wait3A_109, %dma_wait3A_110] : memref<4x128x32xf32, #tpu.memory_space<vmem>> -> memref<1x128x32xf32, #tpu.memory_space<vmem>>
    %dma_wait3A_112 = tpu.memref_squeeze %dma_wait3A_111 : memref<1x128x32xf32, #tpu.memory_space<vmem>> -> memref<128x32xf32, #tpu.memory_space<vmem>>
    %dma_wait3A_113 = arith.constant 0 : i32
    %dma_wait3A_114 = tpu.memref_slice %arg10[%dma_wait3A_106, %dma_wait3A_113] : memref<80x128xi32, #tpu.memory_space<vmem>> -> memref<1x128xi32, #tpu.memory_space<vmem>>
    %dma_wait3A_115 = tpu.memref_squeeze %dma_wait3A_114 : memref<1x128xi32, #tpu.memory_space<vmem>> -> memref<128xi32, #tpu.memory_space<vmem>>
    %dma_wait3A_116 = arith.constant 0 : i32
    %dma_wait3A_117 = arith.constant 0 : i32
    %dma_wait3A_118 = tpu.memref_slice %arg13[%dma_wait3A_116, %dma_wait3A_117] : memref<10112x32xf32, #tpu.memory_space<vmem_shared>> -> memref<10112x32xf32, #tpu.memory_space<vmem_shared>>
    %dma_wait3A_119 = tpu.memref_slice %arg15[%dma_wait3A_108] : memref<4x!tpu.dma_semaphore, #tpu.memory_space<semaphore_mem>> -> memref<1x!tpu.dma_semaphore, #tpu.memory_space<semaphore_mem>>
    %dma_wait3A_120 = tpu.memref_squeeze %dma_wait3A_119 : memref<1x!tpu.dma_semaphore, #tpu.memory_space<semaphore_mem>> -> memref<!tpu.dma_semaphore, #tpu.memory_space<semaphore_mem>>
    tpu.wait_indirect_dma semaphore(%dma_wait3A_120 : memref<!tpu.dma_semaphore, #tpu.memory_space<semaphore_mem>>) src(%dma_wait3A_118 : memref<10112x32xf32, #tpu.memory_space<vmem_shared>>) dst(%dma_wait3A_112 : memref<128x32xf32, #tpu.memory_space<vmem>>)
    %dma_wait3A_121 = arith.constant 3 : i32
    %dma_wait3A_122 = arith.constant 3 : i32
    %dma_wait3A_123 = arith.constant 3 : i32
    %dma_wait3A_124 = arith.constant 0 : i32
    %dma_wait3A_125 = arith.constant 0 : i32
    %dma_wait3A_126 = tpu.memref_slice %arg12[%dma_wait3A_122, %dma_wait3A_124, %dma_wait3A_125] : memref<4x128x32xf32, #tpu.memory_space<vmem>> -> memref<1x128x32xf32, #tpu.memory_space<vmem>>
    %dma_wait3A_127 = tpu.memref_squeeze %dma_wait3A_126 : memref<1x128x32xf32, #tpu.memory_space<vmem>> -> memref<128x32xf32, #tpu.memory_space<vmem>>
    %dma_wait3A_128 = arith.constant 0 : i32
    %dma_wait3A_129 = tpu.memref_slice %arg10[%dma_wait3A_121, %dma_wait3A_128] : memref<80x128xi32, #tpu.memory_space<vmem>> -> memref<1x128xi32, #tpu.memory_space<vmem>>
    %dma_wait3A_130 = tpu.memref_squeeze %dma_wait3A_129 : memref<1x128xi32, #tpu.memory_space<vmem>> -> memref<128xi32, #tpu.memory_space<vmem>>
    %dma_wait3A_131 = arith.constant 0 : i32
    %dma_wait3A_132 = arith.constant 0 : i32
    %dma_wait3A_133 = tpu.memref_slice %arg13[%dma_wait3A_131, %dma_wait3A_132] : memref<10112x32xf32, #tpu.memory_space<vmem_shared>> -> memref<10112x32xf32, #tpu.memory_space<vmem_shared>>
    %dma_wait3A_134 = tpu.memref_slice %arg15[%dma_wait3A_123] : memref<4x!tpu.dma_semaphore, #tpu.memory_space<semaphore_mem>> -> memref<1x!tpu.dma_semaphore, #tpu.memory_space<semaphore_mem>>
    %dma_wait3A_135 = tpu.memref_squeeze %dma_wait3A_134 : memref<1x!tpu.dma_semaphore, #tpu.memory_space<semaphore_mem>> -> memref<!tpu.dma_semaphore, #tpu.memory_space<semaphore_mem>>
    tpu.wait_indirect_dma semaphore(%dma_wait3A_135 : memref<!tpu.dma_semaphore, #tpu.memory_space<semaphore_mem>>) src(%dma_wait3A_133 : memref<10112x32xf32, #tpu.memory_space<vmem_shared>>) dst(%dma_wait3A_127 : memref<128x32xf32, #tpu.memory_space<vmem>>)
    %barrier3A_136 = arith.constant 0 : index
    tpu.barrier barrier_id(%barrier3A_136)
    %mul3A_137 = arith.constant 632 : i32
    %mul3A_138 = arith.muli %arg1, %mul3A_137 : i32
    %mul3A_139 = arith.constant 632 : i32
    %mul3A_140 = arith.muli %arg1, %mul3A_139 : i32
    "tpu.region"() ({
      %run_scoped3A = tpu.sem_alloc : memref<!tpu.dma_semaphore, #tpu.memory_space<semaphore_mem>>
      %dma_start3A_145 = arith.constant 0 : i32
      %dma_start3A_146 = tpu.memref_slice %arg8[%arg0, %mul3A_140, %dma_start3A_145] : memref<2x10112x32xf32, #tpu.memory_space<hbm>> -> memref<1x632x32xf32, #tpu.memory_space<hbm>>
      %dma_start3A_147 = tpu.memref_squeeze %dma_start3A_146 : memref<1x632x32xf32, #tpu.memory_space<hbm>> -> memref<632x32xf32, #tpu.memory_space<hbm>>
      %dma_start3A_148 = arith.constant 0 : i32
      %dma_start3A_149 = tpu.memref_slice %arg14[%mul3A_138, %dma_start3A_148] : memref<10112x32xf32, #tpu.memory_space<vmem_shared>> -> memref<632x32xf32, #tpu.memory_space<vmem_shared>>
      tpu.enqueue_dma source(%dma_start3A_149 : memref<632x32xf32, #tpu.memory_space<vmem_shared>>) target(%dma_start3A_147 : memref<632x32xf32, #tpu.memory_space<hbm>>) target_semaphore(%run_scoped3A : memref<!tpu.dma_semaphore, #tpu.memory_space<semaphore_mem>>)
      %dma_wait3A_150 = arith.constant 0 : i32
      %dma_wait3A_151 = tpu.memref_slice %arg8[%arg0, %mul3A_140, %dma_wait3A_150] : memref<2x10112x32xf32, #tpu.memory_space<hbm>> -> memref<1x632x32xf32, #tpu.memory_space<hbm>>
      %dma_wait3A_152 = tpu.memref_squeeze %dma_wait3A_151 : memref<1x632x32xf32, #tpu.memory_space<hbm>> -> memref<632x32xf32, #tpu.memory_space<hbm>>
      %dma_wait3A_153 = arith.constant 0 : i32
      %dma_wait3A_154 = tpu.memref_slice %arg14[%mul3A_138, %dma_wait3A_153] : memref<10112x32xf32, #tpu.memory_space<vmem_shared>> -> memref<632x32xf32, #tpu.memory_space<vmem_shared>>
      tpu.wait_dma2 semaphore(%run_scoped3A : memref<!tpu.dma_semaphore, #tpu.memory_space<semaphore_mem>>) src(%dma_wait3A_154 : memref<632x32xf32, #tpu.memory_space<vmem_shared>>) dst(%dma_wait3A_152 : memref<632x32xf32, #tpu.memory_space<hbm>>)
      tpu.yield
    }) : () -> ()
    %mul3A_141 = arith.constant 632 : i32
    %mul3A_142 = arith.muli %arg1, %mul3A_141 : i32
    %mul3A_143 = arith.constant 632 : i32
    %mul3A_144 = arith.muli %arg1, %mul3A_143 : i32
    "tpu.region"() ({
      %run_scoped3A = tpu.sem_alloc : memref<!tpu.dma_semaphore, #tpu.memory_space<semaphore_mem>>
      %dma_start3A_145 = arith.constant 0 : i32
      %dma_start3A_146 = tpu.memref_slice %arg9[%arg0, %mul3A_144, %dma_start3A_145] : memref<2x10112x8xf32, #tpu.memory_space<hbm>> -> memref<1x632x8xf32, #tpu.memory_space<hbm>>
      %dma_start3A_147 = tpu.memref_squeeze %dma_start3A_146 : memref<1x632x8xf32, #tpu.memory_space<hbm>> -> memref<632x8xf32, #tpu.memory_space<hbm>>
      %dma_start3A_148 = arith.constant 0 : i32
      %dma_start3A_149 = tpu.memref_slice %arg19[%mul3A_142, %dma_start3A_148] : memref<10112x8xf32, #tpu.memory_space<vmem_shared>> -> memref<632x8xf32, #tpu.memory_space<vmem_shared>>
      tpu.enqueue_dma source(%dma_start3A_149 : memref<632x8xf32, #tpu.memory_space<vmem_shared>>) target(%dma_start3A_147 : memref<632x8xf32, #tpu.memory_space<hbm>>) target_semaphore(%run_scoped3A : memref<!tpu.dma_semaphore, #tpu.memory_space<semaphore_mem>>)
      %dma_wait3A_150 = arith.constant 0 : i32
      %dma_wait3A_151 = tpu.memref_slice %arg9[%arg0, %mul3A_144, %dma_wait3A_150] : memref<2x10112x8xf32, #tpu.memory_space<hbm>> -> memref<1x632x8xf32, #tpu.memory_space<hbm>>
      %dma_wait3A_152 = tpu.memref_squeeze %dma_wait3A_151 : memref<1x632x8xf32, #tpu.memory_space<hbm>> -> memref<632x8xf32, #tpu.memory_space<hbm>>
      %dma_wait3A_153 = arith.constant 0 : i32
      %dma_wait3A_154 = tpu.memref_slice %arg19[%mul3A_142, %dma_wait3A_153] : memref<10112x8xf32, #tpu.memory_space<vmem_shared>> -> memref<632x8xf32, #tpu.memory_space<vmem_shared>>
      tpu.wait_dma2 semaphore(%run_scoped3A : memref<!tpu.dma_semaphore, #tpu.memory_space<semaphore_mem>>) src(%dma_wait3A_154 : memref<632x8xf32, #tpu.memory_space<vmem_shared>>) dst(%dma_wait3A_152 : memref<632x8xf32, #tpu.memory_space<hbm>>)
      tpu.yield
    }) : () -> ()
    return
  }
}

#map = affine_map<(d0, d1) -> (0, 0)>
#map1 = affine_map<(d0, d1) -> (0, 0, 0)>
module attributes {stable_mosaic.version = 14 : i64} {
  func.func @body(%arg0: i32, %arg1: i32, %arg2: memref<2560x128xi32, #tpu.memory_space<hbm>>, %arg3: memref<2560x128xi32, #tpu.memory_space<hbm>>, %arg4: memref<10112x16xf32, #tpu.memory_space<hbm>>, %arg5: memref<632x16xf32, #tpu.memory_space<hbm>>, %arg6: memref<128x8xf32, #tpu.memory_space<hbm>>, %arg7: memref<632x8xf32, #tpu.memory_space<hbm>>, %arg8: memref<2x10112x16xf32, #tpu.memory_space<hbm>>, %arg9: memref<80x128xi32, #tpu.memory_space<vmem>>, %arg10: memref<80x128xi32, #tpu.memory_space<vmem>>, %arg11: memref<4x128x16xf32, #tpu.memory_space<vmem>>, %arg12: memref<10112x16xf32, #tpu.memory_space<vmem_shared>>, %arg13: memref<10112x16xf32, #tpu.memory_space<vmem_shared>>, %arg14: memref<4x!tpu.dma_semaphore, #tpu.memory_space<semaphore_mem>>, %arg15: memref<4x!tpu.dma_semaphore, #tpu.memory_space<semaphore_mem>>, %arg16: memref<!tpu.dma_semaphore, #tpu.memory_space<semaphore_mem>>) attributes {dimension_semantics = [#tpu.dimension_semantics<core_parallel>, #tpu.dimension_semantics<subcore_parallel>], iteration_bounds = array<i64: 2, 16>, scalar_prefetch = 0 : i64, scratch_operands = 8 : i64, tpu.core_type = #tpu.core_type<sc_vector_subcore>, window_params = [{transform_indices = #map}, {transform_indices = #map}, {transform_indices = #map}, {transform_indices = #map}, {transform_indices = #map}, {transform_indices = #map}, {transform_indices = #map1}]} {
    %mul3A = arith.constant 2 : i32
    %mul3A_0 = arith.muli %arg1, %mul3A : i32
    %add3A = arith.addi %mul3A_0, %arg0 : i32
    %mul3A_1 = arith.constant 632 : i32
    %mul3A_2 = arith.muli %arg1, %mul3A_1 : i32
    %mul3A_3 = arith.constant 632 : i32
    %mul3A_4 = arith.muli %arg1, %mul3A_3 : i32
    "tpu.region"() ({
      %run_scoped3A = tpu.sem_alloc : memref<!tpu.dma_semaphore, #tpu.memory_space<semaphore_mem>>
      %dma_start3A_139 = arith.constant 0 : i32
      %dma_start3A_140 = tpu.memref_slice %arg12[%mul3A_4, %dma_start3A_139] : memref<10112x16xf32, #tpu.memory_space<vmem_shared>> -> memref<632x16xf32, #tpu.memory_space<vmem_shared>>
      %dma_start3A_141 = arith.constant 0 : i32
      %dma_start3A_142 = tpu.memref_slice %arg4[%mul3A_2, %dma_start3A_141] : memref<10112x16xf32, #tpu.memory_space<hbm>> -> memref<632x16xf32, #tpu.memory_space<hbm>>
      tpu.enqueue_dma source(%dma_start3A_142 : memref<632x16xf32, #tpu.memory_space<hbm>>) target(%dma_start3A_140 : memref<632x16xf32, #tpu.memory_space<vmem_shared>>) target_semaphore(%run_scoped3A : memref<!tpu.dma_semaphore, #tpu.memory_space<semaphore_mem>>)
      %dma_wait3A_143 = arith.constant 0 : i32
      %dma_wait3A_144 = tpu.memref_slice %arg12[%mul3A_4, %dma_wait3A_143] : memref<10112x16xf32, #tpu.memory_space<vmem_shared>> -> memref<632x16xf32, #tpu.memory_space<vmem_shared>>
      %dma_wait3A_145 = arith.constant 0 : i32
      %dma_wait3A_146 = tpu.memref_slice %arg4[%mul3A_2, %dma_wait3A_145] : memref<10112x16xf32, #tpu.memory_space<hbm>> -> memref<632x16xf32, #tpu.memory_space<hbm>>
      tpu.wait_dma2 semaphore(%run_scoped3A : memref<!tpu.dma_semaphore, #tpu.memory_space<semaphore_mem>>) src(%dma_wait3A_146 : memref<632x16xf32, #tpu.memory_space<hbm>>) dst(%dma_wait3A_144 : memref<632x16xf32, #tpu.memory_space<vmem_shared>>)
      tpu.yield
    }) : () -> ()
    %mul3A_5 = arith.constant 632 : i32
    %mul3A_6 = arith.muli %arg1, %mul3A_5 : i32
    "tpu.region"() ({
      %run_scoped3A = tpu.sem_alloc : memref<!tpu.dma_semaphore, #tpu.memory_space<semaphore_mem>>
      %dma_start3A_139 = arith.constant 0 : i32
      %dma_start3A_140 = tpu.memref_slice %arg13[%mul3A_6, %dma_start3A_139] : memref<10112x16xf32, #tpu.memory_space<vmem_shared>> -> memref<632x16xf32, #tpu.memory_space<vmem_shared>>
      tpu.enqueue_dma source(%arg5 : memref<632x16xf32, #tpu.memory_space<hbm>>) target(%dma_start3A_140 : memref<632x16xf32, #tpu.memory_space<vmem_shared>>) target_semaphore(%run_scoped3A : memref<!tpu.dma_semaphore, #tpu.memory_space<semaphore_mem>>)
      %dma_wait3A_141 = arith.constant 0 : i32
      %dma_wait3A_142 = tpu.memref_slice %arg13[%mul3A_6, %dma_wait3A_141] : memref<10112x16xf32, #tpu.memory_space<vmem_shared>> -> memref<632x16xf32, #tpu.memory_space<vmem_shared>>
      tpu.wait_dma2 semaphore(%run_scoped3A : memref<!tpu.dma_semaphore, #tpu.memory_space<semaphore_mem>>) src(%arg5 : memref<632x16xf32, #tpu.memory_space<hbm>>) dst(%dma_wait3A_142 : memref<632x16xf32, #tpu.memory_space<vmem_shared>>)
      tpu.yield
    }) : () -> ()
    %mul3A_7 = arith.constant 80 : i32
    %mul3A_8 = arith.muli %add3A, %mul3A_7 : i32
    "tpu.region"() ({
      %run_scoped3A = tpu.sem_alloc : memref<!tpu.dma_semaphore, #tpu.memory_space<semaphore_mem>>
      %dma_start3A_139 = arith.constant 0 : i32
      %dma_start3A_140 = tpu.memref_slice %arg2[%mul3A_8, %dma_start3A_139] : memref<2560x128xi32, #tpu.memory_space<hbm>> -> memref<80x128xi32, #tpu.memory_space<hbm>>
      %dma_start3A_141 = arith.constant 0 : i32
      %dma_start3A_142 = tpu.memref_slice %arg2[%mul3A_8, %dma_start3A_141] : memref<2560x128xi32, #tpu.memory_space<hbm>> -> memref<80x128xi32, #tpu.memory_space<hbm>>
      tpu.enqueue_dma source(%dma_start3A_142 : memref<80x128xi32, #tpu.memory_space<hbm>>) target(%arg9 : memref<80x128xi32, #tpu.memory_space<vmem>>) target_semaphore(%run_scoped3A : memref<!tpu.dma_semaphore, #tpu.memory_space<semaphore_mem>>)
      %dma_wait3A_143 = arith.constant 0 : i32
      %dma_wait3A_144 = tpu.memref_slice %arg2[%mul3A_8, %dma_wait3A_143] : memref<2560x128xi32, #tpu.memory_space<hbm>> -> memref<80x128xi32, #tpu.memory_space<hbm>>
      %dma_wait3A_145 = arith.constant 0 : i32
      %dma_wait3A_146 = tpu.memref_slice %arg2[%mul3A_8, %dma_wait3A_145] : memref<2560x128xi32, #tpu.memory_space<hbm>> -> memref<80x128xi32, #tpu.memory_space<hbm>>
      tpu.wait_dma2 semaphore(%run_scoped3A : memref<!tpu.dma_semaphore, #tpu.memory_space<semaphore_mem>>) src(%dma_wait3A_146 : memref<80x128xi32, #tpu.memory_space<hbm>>) dst(%arg9 : memref<80x128xi32, #tpu.memory_space<vmem>>)
      tpu.yield
    }) : () -> ()
    %mul3A_9 = arith.constant 80 : i32
    %mul3A_10 = arith.muli %add3A, %mul3A_9 : i32
    "tpu.region"() ({
      %run_scoped3A = tpu.sem_alloc : memref<!tpu.dma_semaphore, #tpu.memory_space<semaphore_mem>>
      %dma_start3A_139 = arith.constant 0 : i32
      %dma_start3A_140 = tpu.memref_slice %arg3[%mul3A_10, %dma_start3A_139] : memref<2560x128xi32, #tpu.memory_space<hbm>> -> memref<80x128xi32, #tpu.memory_space<hbm>>
      %dma_start3A_141 = arith.constant 0 : i32
      %dma_start3A_142 = tpu.memref_slice %arg3[%mul3A_10, %dma_start3A_141] : memref<2560x128xi32, #tpu.memory_space<hbm>> -> memref<80x128xi32, #tpu.memory_space<hbm>>
      tpu.enqueue_dma source(%dma_start3A_142 : memref<80x128xi32, #tpu.memory_space<hbm>>) target(%arg10 : memref<80x128xi32, #tpu.memory_space<vmem>>) target_semaphore(%run_scoped3A : memref<!tpu.dma_semaphore, #tpu.memory_space<semaphore_mem>>)
      %dma_wait3A_143 = arith.constant 0 : i32
      %dma_wait3A_144 = tpu.memref_slice %arg3[%mul3A_10, %dma_wait3A_143] : memref<2560x128xi32, #tpu.memory_space<hbm>> -> memref<80x128xi32, #tpu.memory_space<hbm>>
      %dma_wait3A_145 = arith.constant 0 : i32
      %dma_wait3A_146 = tpu.memref_slice %arg3[%mul3A_10, %dma_wait3A_145] : memref<2560x128xi32, #tpu.memory_space<hbm>> -> memref<80x128xi32, #tpu.memory_space<hbm>>
      tpu.wait_dma2 semaphore(%run_scoped3A : memref<!tpu.dma_semaphore, #tpu.memory_space<semaphore_mem>>) src(%dma_wait3A_146 : memref<80x128xi32, #tpu.memory_space<hbm>>) dst(%arg10 : memref<80x128xi32, #tpu.memory_space<vmem>>)
      tpu.yield
    }) : () -> ()
    %barrier3A = arith.constant 0 : index
    tpu.barrier barrier_id(%barrier3A)
    %dma_start3A = arith.constant 0 : i32
    %dma_start3A_11 = arith.constant 0 : i32
    %dma_start3A_12 = arith.constant 0 : i32
    %dma_start3A_13 = arith.constant 0 : i32
    %dma_start3A_14 = arith.constant 0 : i32
    %dma_start3A_15 = tpu.memref_slice %arg11[%dma_start3A_11, %dma_start3A_13, %dma_start3A_14] : memref<4x128x16xf32, #tpu.memory_space<vmem>> -> memref<1x128x16xf32, #tpu.memory_space<vmem>>
    %dma_start3A_16 = tpu.memref_squeeze %dma_start3A_15 : memref<1x128x16xf32, #tpu.memory_space<vmem>> -> memref<128x16xf32, #tpu.memory_space<vmem>>
    %dma_start3A_17 = arith.constant 0 : i32
    %dma_start3A_18 = tpu.memref_slice %arg9[%dma_start3A, %dma_start3A_17] : memref<80x128xi32, #tpu.memory_space<vmem>> -> memref<1x128xi32, #tpu.memory_space<vmem>>
    %dma_start3A_19 = tpu.memref_squeeze %dma_start3A_18 : memref<1x128xi32, #tpu.memory_space<vmem>> -> memref<128xi32, #tpu.memory_space<vmem>>
    %dma_start3A_20 = arith.constant 0 : i32
    %dma_start3A_21 = arith.constant 0 : i32
    %dma_start3A_22 = tpu.memref_slice %arg12[%dma_start3A_20, %dma_start3A_21] : memref<10112x16xf32, #tpu.memory_space<vmem_shared>> -> memref<10112x16xf32, #tpu.memory_space<vmem_shared>>
    %dma_start3A_23 = tpu.memref_slice %arg14[%dma_start3A_12] : memref<4x!tpu.dma_semaphore, #tpu.memory_space<semaphore_mem>> -> memref<1x!tpu.dma_semaphore, #tpu.memory_space<semaphore_mem>>
    %dma_start3A_24 = tpu.memref_squeeze %dma_start3A_23 : memref<1x!tpu.dma_semaphore, #tpu.memory_space<semaphore_mem>> -> memref<!tpu.dma_semaphore, #tpu.memory_space<semaphore_mem>>
    tpu.enqueue_indirect_dma source(%dma_start3A_22 : memref<10112x16xf32, #tpu.memory_space<vmem_shared>>) target(%dma_start3A_16 : memref<128x16xf32, #tpu.memory_space<vmem>>) offsets(%dma_start3A_19 : memref<128xi32, #tpu.memory_space<vmem>>) semaphore(%dma_start3A_24 : memref<!tpu.dma_semaphore, #tpu.memory_space<semaphore_mem>>)
    %dma_start3A_25 = arith.constant 1 : i32
    %dma_start3A_26 = arith.constant 1 : i32
    %dma_start3A_27 = arith.constant 1 : i32
    %dma_start3A_28 = arith.constant 0 : i32
    %dma_start3A_29 = arith.constant 0 : i32
    %dma_start3A_30 = tpu.memref_slice %arg11[%dma_start3A_26, %dma_start3A_28, %dma_start3A_29] : memref<4x128x16xf32, #tpu.memory_space<vmem>> -> memref<1x128x16xf32, #tpu.memory_space<vmem>>
    %dma_start3A_31 = tpu.memref_squeeze %dma_start3A_30 : memref<1x128x16xf32, #tpu.memory_space<vmem>> -> memref<128x16xf32, #tpu.memory_space<vmem>>
    %dma_start3A_32 = arith.constant 0 : i32
    %dma_start3A_33 = tpu.memref_slice %arg9[%dma_start3A_25, %dma_start3A_32] : memref<80x128xi32, #tpu.memory_space<vmem>> -> memref<1x128xi32, #tpu.memory_space<vmem>>
    %dma_start3A_34 = tpu.memref_squeeze %dma_start3A_33 : memref<1x128xi32, #tpu.memory_space<vmem>> -> memref<128xi32, #tpu.memory_space<vmem>>
    %dma_start3A_35 = arith.constant 0 : i32
    %dma_start3A_36 = arith.constant 0 : i32
    %dma_start3A_37 = tpu.memref_slice %arg12[%dma_start3A_35, %dma_start3A_36] : memref<10112x16xf32, #tpu.memory_space<vmem_shared>> -> memref<10112x16xf32, #tpu.memory_space<vmem_shared>>
    %dma_start3A_38 = tpu.memref_slice %arg14[%dma_start3A_27] : memref<4x!tpu.dma_semaphore, #tpu.memory_space<semaphore_mem>> -> memref<1x!tpu.dma_semaphore, #tpu.memory_space<semaphore_mem>>
    %dma_start3A_39 = tpu.memref_squeeze %dma_start3A_38 : memref<1x!tpu.dma_semaphore, #tpu.memory_space<semaphore_mem>> -> memref<!tpu.dma_semaphore, #tpu.memory_space<semaphore_mem>>
    tpu.enqueue_indirect_dma source(%dma_start3A_37 : memref<10112x16xf32, #tpu.memory_space<vmem_shared>>) target(%dma_start3A_31 : memref<128x16xf32, #tpu.memory_space<vmem>>) offsets(%dma_start3A_34 : memref<128xi32, #tpu.memory_space<vmem>>) semaphore(%dma_start3A_39 : memref<!tpu.dma_semaphore, #tpu.memory_space<semaphore_mem>>)
    %dma_start3A_40 = arith.constant 2 : i32
    %dma_start3A_41 = arith.constant 2 : i32
    %dma_start3A_42 = arith.constant 2 : i32
    %dma_start3A_43 = arith.constant 0 : i32
    %dma_start3A_44 = arith.constant 0 : i32
    %dma_start3A_45 = tpu.memref_slice %arg11[%dma_start3A_41, %dma_start3A_43, %dma_start3A_44] : memref<4x128x16xf32, #tpu.memory_space<vmem>> -> memref<1x128x16xf32, #tpu.memory_space<vmem>>
    %dma_start3A_46 = tpu.memref_squeeze %dma_start3A_45 : memref<1x128x16xf32, #tpu.memory_space<vmem>> -> memref<128x16xf32, #tpu.memory_space<vmem>>
    %dma_start3A_47 = arith.constant 0 : i32
    %dma_start3A_48 = tpu.memref_slice %arg9[%dma_start3A_40, %dma_start3A_47] : memref<80x128xi32, #tpu.memory_space<vmem>> -> memref<1x128xi32, #tpu.memory_space<vmem>>
    %dma_start3A_49 = tpu.memref_squeeze %dma_start3A_48 : memref<1x128xi32, #tpu.memory_space<vmem>> -> memref<128xi32, #tpu.memory_space<vmem>>
    %dma_start3A_50 = arith.constant 0 : i32
    %dma_start3A_51 = arith.constant 0 : i32
    %dma_start3A_52 = tpu.memref_slice %arg12[%dma_start3A_50, %dma_start3A_51] : memref<10112x16xf32, #tpu.memory_space<vmem_shared>> -> memref<10112x16xf32, #tpu.memory_space<vmem_shared>>
    %dma_start3A_53 = tpu.memref_slice %arg14[%dma_start3A_42] : memref<4x!tpu.dma_semaphore, #tpu.memory_space<semaphore_mem>> -> memref<1x!tpu.dma_semaphore, #tpu.memory_space<semaphore_mem>>
    %dma_start3A_54 = tpu.memref_squeeze %dma_start3A_53 : memref<1x!tpu.dma_semaphore, #tpu.memory_space<semaphore_mem>> -> memref<!tpu.dma_semaphore, #tpu.memory_space<semaphore_mem>>
    tpu.enqueue_indirect_dma source(%dma_start3A_52 : memref<10112x16xf32, #tpu.memory_space<vmem_shared>>) target(%dma_start3A_46 : memref<128x16xf32, #tpu.memory_space<vmem>>) offsets(%dma_start3A_49 : memref<128xi32, #tpu.memory_space<vmem>>) semaphore(%dma_start3A_54 : memref<!tpu.dma_semaphore, #tpu.memory_space<semaphore_mem>>)
    %dma_start3A_55 = arith.constant 3 : i32
    %dma_start3A_56 = arith.constant 3 : i32
    %dma_start3A_57 = arith.constant 3 : i32
    %dma_start3A_58 = arith.constant 0 : i32
    %dma_start3A_59 = arith.constant 0 : i32
    %dma_start3A_60 = tpu.memref_slice %arg11[%dma_start3A_56, %dma_start3A_58, %dma_start3A_59] : memref<4x128x16xf32, #tpu.memory_space<vmem>> -> memref<1x128x16xf32, #tpu.memory_space<vmem>>
    %dma_start3A_61 = tpu.memref_squeeze %dma_start3A_60 : memref<1x128x16xf32, #tpu.memory_space<vmem>> -> memref<128x16xf32, #tpu.memory_space<vmem>>
    %dma_start3A_62 = arith.constant 0 : i32
    %dma_start3A_63 = tpu.memref_slice %arg9[%dma_start3A_55, %dma_start3A_62] : memref<80x128xi32, #tpu.memory_space<vmem>> -> memref<1x128xi32, #tpu.memory_space<vmem>>
    %dma_start3A_64 = tpu.memref_squeeze %dma_start3A_63 : memref<1x128xi32, #tpu.memory_space<vmem>> -> memref<128xi32, #tpu.memory_space<vmem>>
    %dma_start3A_65 = arith.constant 0 : i32
    %dma_start3A_66 = arith.constant 0 : i32
    %dma_start3A_67 = tpu.memref_slice %arg12[%dma_start3A_65, %dma_start3A_66] : memref<10112x16xf32, #tpu.memory_space<vmem_shared>> -> memref<10112x16xf32, #tpu.memory_space<vmem_shared>>
    %dma_start3A_68 = tpu.memref_slice %arg14[%dma_start3A_57] : memref<4x!tpu.dma_semaphore, #tpu.memory_space<semaphore_mem>> -> memref<1x!tpu.dma_semaphore, #tpu.memory_space<semaphore_mem>>
    %dma_start3A_69 = tpu.memref_squeeze %dma_start3A_68 : memref<1x!tpu.dma_semaphore, #tpu.memory_space<semaphore_mem>> -> memref<!tpu.dma_semaphore, #tpu.memory_space<semaphore_mem>>
    tpu.enqueue_indirect_dma source(%dma_start3A_67 : memref<10112x16xf32, #tpu.memory_space<vmem_shared>>) target(%dma_start3A_61 : memref<128x16xf32, #tpu.memory_space<vmem>>) offsets(%dma_start3A_64 : memref<128xi32, #tpu.memory_space<vmem>>) semaphore(%dma_start3A_69 : memref<!tpu.dma_semaphore, #tpu.memory_space<semaphore_mem>>)
    %scan3A = arith.constant 0 : i32
    %scan3A_70 = arith.constant 0 : i32
    %scan3A_71 = arith.constant 20 : i32
    %scan3A_72 = arith.addi %scan3A_70, %scan3A_71 : i32
    %scan3A_73 = arith.constant 1 : i32
    scf.for %scan3A_139 = %scan3A_70 to %scan3A_72 step %scan3A_73  : i32 {
      %mul3A_140 = arith.constant 4 : i32
      %mul3A_141 = arith.muli %scan3A_139, %mul3A_140 : i32
      %add3A_142 = arith.constant 0 : i32
      %add3A_143 = arith.addi %mul3A_141, %add3A_142 : i32
      %dma_wait3A_144 = arith.constant 0 : i32
      %dma_wait3A_145 = arith.constant 0 : i32
      %dma_wait3A_146 = arith.constant 0 : i32
      %dma_wait3A_147 = arith.constant 0 : i32
      %dma_wait3A_148 = tpu.memref_slice %arg11[%dma_wait3A_144, %dma_wait3A_146, %dma_wait3A_147] : memref<4x128x16xf32, #tpu.memory_space<vmem>> -> memref<1x128x16xf32, #tpu.memory_space<vmem>>
      %dma_wait3A_149 = tpu.memref_squeeze %dma_wait3A_148 : memref<1x128x16xf32, #tpu.memory_space<vmem>> -> memref<128x16xf32, #tpu.memory_space<vmem>>
      %dma_wait3A_150 = arith.constant 0 : i32
      %dma_wait3A_151 = tpu.memref_slice %arg9[%add3A_143, %dma_wait3A_150] : memref<80x128xi32, #tpu.memory_space<vmem>> -> memref<1x128xi32, #tpu.memory_space<vmem>>
      %dma_wait3A_152 = tpu.memref_squeeze %dma_wait3A_151 : memref<1x128xi32, #tpu.memory_space<vmem>> -> memref<128xi32, #tpu.memory_space<vmem>>
      %dma_wait3A_153 = arith.constant 0 : i32
      %dma_wait3A_154 = arith.constant 0 : i32
      %dma_wait3A_155 = tpu.memref_slice %arg12[%dma_wait3A_153, %dma_wait3A_154] : memref<10112x16xf32, #tpu.memory_space<vmem_shared>> -> memref<10112x16xf32, #tpu.memory_space<vmem_shared>>
      %dma_wait3A_156 = tpu.memref_slice %arg14[%dma_wait3A_145] : memref<4x!tpu.dma_semaphore, #tpu.memory_space<semaphore_mem>> -> memref<1x!tpu.dma_semaphore, #tpu.memory_space<semaphore_mem>>
      %dma_wait3A_157 = tpu.memref_squeeze %dma_wait3A_156 : memref<1x!tpu.dma_semaphore, #tpu.memory_space<semaphore_mem>> -> memref<!tpu.dma_semaphore, #tpu.memory_space<semaphore_mem>>
      tpu.wait_indirect_dma semaphore(%dma_wait3A_157 : memref<!tpu.dma_semaphore, #tpu.memory_space<semaphore_mem>>) src(%dma_wait3A_155 : memref<10112x16xf32, #tpu.memory_space<vmem_shared>>) dst(%dma_wait3A_149 : memref<128x16xf32, #tpu.memory_space<vmem>>)
      %dma_start3A_158 = arith.constant 0 : i32
      %dma_start3A_159 = arith.constant 0 : i32
      %dma_start3A_160 = arith.constant 0 : i32
      %dma_start3A_161 = arith.constant 0 : i32
      %dma_start3A_162 = tpu.memref_slice %arg11[%dma_start3A_158, %dma_start3A_160, %dma_start3A_161] : memref<4x128x16xf32, #tpu.memory_space<vmem>> -> memref<1x128x16xf32, #tpu.memory_space<vmem>>
      %dma_start3A_163 = tpu.memref_squeeze %dma_start3A_162 : memref<1x128x16xf32, #tpu.memory_space<vmem>> -> memref<128x16xf32, #tpu.memory_space<vmem>>
      %dma_start3A_164 = arith.constant 0 : i32
      %dma_start3A_165 = tpu.memref_slice %arg10[%add3A_143, %dma_start3A_164] : memref<80x128xi32, #tpu.memory_space<vmem>> -> memref<1x128xi32, #tpu.memory_space<vmem>>
      %dma_start3A_166 = tpu.memref_squeeze %dma_start3A_165 : memref<1x128xi32, #tpu.memory_space<vmem>> -> memref<128xi32, #tpu.memory_space<vmem>>
      %dma_start3A_167 = arith.constant 0 : i32
      %dma_start3A_168 = arith.constant 0 : i32
      %dma_start3A_169 = tpu.memref_slice %arg13[%dma_start3A_167, %dma_start3A_168] : memref<10112x16xf32, #tpu.memory_space<vmem_shared>> -> memref<10112x16xf32, #tpu.memory_space<vmem_shared>>
      %dma_start3A_170 = tpu.memref_slice %arg15[%dma_start3A_159] : memref<4x!tpu.dma_semaphore, #tpu.memory_space<semaphore_mem>> -> memref<1x!tpu.dma_semaphore, #tpu.memory_space<semaphore_mem>>
      %dma_start3A_171 = tpu.memref_squeeze %dma_start3A_170 : memref<1x!tpu.dma_semaphore, #tpu.memory_space<semaphore_mem>> -> memref<!tpu.dma_semaphore, #tpu.memory_space<semaphore_mem>>
      tpu.enqueue_indirect_dma source(%dma_start3A_163 : memref<128x16xf32, #tpu.memory_space<vmem>>) target(%dma_start3A_169 : memref<10112x16xf32, #tpu.memory_space<vmem_shared>>) offsets(%dma_start3A_166 : memref<128xi32, #tpu.memory_space<vmem>>) semaphore(%dma_start3A_171 : memref<!tpu.dma_semaphore, #tpu.memory_space<semaphore_mem>>) {add = true}
      %dma_wait3A_172 = arith.constant 0 : i32
      %dma_wait3A_173 = arith.constant 0 : i32
      %dma_wait3A_174 = arith.constant 0 : i32
      %dma_wait3A_175 = arith.constant 0 : i32
      %dma_wait3A_176 = tpu.memref_slice %arg11[%dma_wait3A_172, %dma_wait3A_174, %dma_wait3A_175] : memref<4x128x16xf32, #tpu.memory_space<vmem>> -> memref<1x128x16xf32, #tpu.memory_space<vmem>>
      %dma_wait3A_177 = tpu.memref_squeeze %dma_wait3A_176 : memref<1x128x16xf32, #tpu.memory_space<vmem>> -> memref<128x16xf32, #tpu.memory_space<vmem>>
      %dma_wait3A_178 = arith.constant 0 : i32
      %dma_wait3A_179 = tpu.memref_slice %arg10[%add3A_143, %dma_wait3A_178] : memref<80x128xi32, #tpu.memory_space<vmem>> -> memref<1x128xi32, #tpu.memory_space<vmem>>
      %dma_wait3A_180 = tpu.memref_squeeze %dma_wait3A_179 : memref<1x128xi32, #tpu.memory_space<vmem>> -> memref<128xi32, #tpu.memory_space<vmem>>
      %dma_wait3A_181 = arith.constant 0 : i32
      %dma_wait3A_182 = arith.constant 0 : i32
      %dma_wait3A_183 = tpu.memref_slice %arg13[%dma_wait3A_181, %dma_wait3A_182] : memref<10112x16xf32, #tpu.memory_space<vmem_shared>> -> memref<10112x16xf32, #tpu.memory_space<vmem_shared>>
      %dma_wait3A_184 = tpu.memref_slice %arg15[%dma_wait3A_173] : memref<4x!tpu.dma_semaphore, #tpu.memory_space<semaphore_mem>> -> memref<1x!tpu.dma_semaphore, #tpu.memory_space<semaphore_mem>>
      %dma_wait3A_185 = tpu.memref_squeeze %dma_wait3A_184 : memref<1x!tpu.dma_semaphore, #tpu.memory_space<semaphore_mem>> -> memref<!tpu.dma_semaphore, #tpu.memory_space<semaphore_mem>>
      tpu.wait_indirect_dma semaphore(%dma_wait3A_185 : memref<!tpu.dma_semaphore, #tpu.memory_space<semaphore_mem>>) src(%dma_wait3A_177 : memref<128x16xf32, #tpu.memory_space<vmem>>) dst(%dma_wait3A_183 : memref<10112x16xf32, #tpu.memory_space<vmem_shared>>)
      %add3A_186 = arith.constant 4 : i32
      %add3A_187 = arith.addi %add3A_143, %add3A_186 : i32
      %rem3A = arith.constant 80 : i32
      %rem3A_188 = arith.remsi %add3A_187, %rem3A : i32
      %dma_start3A_189 = arith.constant 0 : i32
      %dma_start3A_190 = arith.constant 0 : i32
      %dma_start3A_191 = arith.constant 0 : i32
      %dma_start3A_192 = arith.constant 0 : i32
      %dma_start3A_193 = tpu.memref_slice %arg11[%dma_start3A_189, %dma_start3A_191, %dma_start3A_192] : memref<4x128x16xf32, #tpu.memory_space<vmem>> -> memref<1x128x16xf32, #tpu.memory_space<vmem>>
      %dma_start3A_194 = tpu.memref_squeeze %dma_start3A_193 : memref<1x128x16xf32, #tpu.memory_space<vmem>> -> memref<128x16xf32, #tpu.memory_space<vmem>>
      %dma_start3A_195 = arith.constant 0 : i32
      %dma_start3A_196 = tpu.memref_slice %arg9[%rem3A_188, %dma_start3A_195] : memref<80x128xi32, #tpu.memory_space<vmem>> -> memref<1x128xi32, #tpu.memory_space<vmem>>
      %dma_start3A_197 = tpu.memref_squeeze %dma_start3A_196 : memref<1x128xi32, #tpu.memory_space<vmem>> -> memref<128xi32, #tpu.memory_space<vmem>>
      %dma_start3A_198 = arith.constant 0 : i32
      %dma_start3A_199 = arith.constant 0 : i32
      %dma_start3A_200 = tpu.memref_slice %arg12[%dma_start3A_198, %dma_start3A_199] : memref<10112x16xf32, #tpu.memory_space<vmem_shared>> -> memref<10112x16xf32, #tpu.memory_space<vmem_shared>>
      %dma_start3A_201 = tpu.memref_slice %arg14[%dma_start3A_190] : memref<4x!tpu.dma_semaphore, #tpu.memory_space<semaphore_mem>> -> memref<1x!tpu.dma_semaphore, #tpu.memory_space<semaphore_mem>>
      %dma_start3A_202 = tpu.memref_squeeze %dma_start3A_201 : memref<1x!tpu.dma_semaphore, #tpu.memory_space<semaphore_mem>> -> memref<!tpu.dma_semaphore, #tpu.memory_space<semaphore_mem>>
      tpu.enqueue_indirect_dma source(%dma_start3A_200 : memref<10112x16xf32, #tpu.memory_space<vmem_shared>>) target(%dma_start3A_194 : memref<128x16xf32, #tpu.memory_space<vmem>>) offsets(%dma_start3A_197 : memref<128xi32, #tpu.memory_space<vmem>>) semaphore(%dma_start3A_202 : memref<!tpu.dma_semaphore, #tpu.memory_space<semaphore_mem>>)
      %add3A_203 = arith.constant 1 : i32
      %add3A_204 = arith.addi %mul3A_141, %add3A_203 : i32
      %dma_wait3A_205 = arith.constant 1 : i32
      %dma_wait3A_206 = arith.constant 1 : i32
      %dma_wait3A_207 = arith.constant 0 : i32
      %dma_wait3A_208 = arith.constant 0 : i32
      %dma_wait3A_209 = tpu.memref_slice %arg11[%dma_wait3A_205, %dma_wait3A_207, %dma_wait3A_208] : memref<4x128x16xf32, #tpu.memory_space<vmem>> -> memref<1x128x16xf32, #tpu.memory_space<vmem>>
      %dma_wait3A_210 = tpu.memref_squeeze %dma_wait3A_209 : memref<1x128x16xf32, #tpu.memory_space<vmem>> -> memref<128x16xf32, #tpu.memory_space<vmem>>
      %dma_wait3A_211 = arith.constant 0 : i32
      %dma_wait3A_212 = tpu.memref_slice %arg9[%add3A_204, %dma_wait3A_211] : memref<80x128xi32, #tpu.memory_space<vmem>> -> memref<1x128xi32, #tpu.memory_space<vmem>>
      %dma_wait3A_213 = tpu.memref_squeeze %dma_wait3A_212 : memref<1x128xi32, #tpu.memory_space<vmem>> -> memref<128xi32, #tpu.memory_space<vmem>>
      %dma_wait3A_214 = arith.constant 0 : i32
      %dma_wait3A_215 = arith.constant 0 : i32
      %dma_wait3A_216 = tpu.memref_slice %arg12[%dma_wait3A_214, %dma_wait3A_215] : memref<10112x16xf32, #tpu.memory_space<vmem_shared>> -> memref<10112x16xf32, #tpu.memory_space<vmem_shared>>
      %dma_wait3A_217 = tpu.memref_slice %arg14[%dma_wait3A_206] : memref<4x!tpu.dma_semaphore, #tpu.memory_space<semaphore_mem>> -> memref<1x!tpu.dma_semaphore, #tpu.memory_space<semaphore_mem>>
      %dma_wait3A_218 = tpu.memref_squeeze %dma_wait3A_217 : memref<1x!tpu.dma_semaphore, #tpu.memory_space<semaphore_mem>> -> memref<!tpu.dma_semaphore, #tpu.memory_space<semaphore_mem>>
      tpu.wait_indirect_dma semaphore(%dma_wait3A_218 : memref<!tpu.dma_semaphore, #tpu.memory_space<semaphore_mem>>) src(%dma_wait3A_216 : memref<10112x16xf32, #tpu.memory_space<vmem_shared>>) dst(%dma_wait3A_210 : memref<128x16xf32, #tpu.memory_space<vmem>>)
      %dma_start3A_219 = arith.constant 1 : i32
      %dma_start3A_220 = arith.constant 1 : i32
      %dma_start3A_221 = arith.constant 0 : i32
      %dma_start3A_222 = arith.constant 0 : i32
      %dma_start3A_223 = tpu.memref_slice %arg11[%dma_start3A_219, %dma_start3A_221, %dma_start3A_222] : memref<4x128x16xf32, #tpu.memory_space<vmem>> -> memref<1x128x16xf32, #tpu.memory_space<vmem>>
      %dma_start3A_224 = tpu.memref_squeeze %dma_start3A_223 : memref<1x128x16xf32, #tpu.memory_space<vmem>> -> memref<128x16xf32, #tpu.memory_space<vmem>>
      %dma_start3A_225 = arith.constant 0 : i32
      %dma_start3A_226 = tpu.memref_slice %arg10[%add3A_204, %dma_start3A_225] : memref<80x128xi32, #tpu.memory_space<vmem>> -> memref<1x128xi32, #tpu.memory_space<vmem>>
      %dma_start3A_227 = tpu.memref_squeeze %dma_start3A_226 : memref<1x128xi32, #tpu.memory_space<vmem>> -> memref<128xi32, #tpu.memory_space<vmem>>
      %dma_start3A_228 = arith.constant 0 : i32
      %dma_start3A_229 = arith.constant 0 : i32
      %dma_start3A_230 = tpu.memref_slice %arg13[%dma_start3A_228, %dma_start3A_229] : memref<10112x16xf32, #tpu.memory_space<vmem_shared>> -> memref<10112x16xf32, #tpu.memory_space<vmem_shared>>
      %dma_start3A_231 = tpu.memref_slice %arg15[%dma_start3A_220] : memref<4x!tpu.dma_semaphore, #tpu.memory_space<semaphore_mem>> -> memref<1x!tpu.dma_semaphore, #tpu.memory_space<semaphore_mem>>
      %dma_start3A_232 = tpu.memref_squeeze %dma_start3A_231 : memref<1x!tpu.dma_semaphore, #tpu.memory_space<semaphore_mem>> -> memref<!tpu.dma_semaphore, #tpu.memory_space<semaphore_mem>>
      tpu.enqueue_indirect_dma source(%dma_start3A_224 : memref<128x16xf32, #tpu.memory_space<vmem>>) target(%dma_start3A_230 : memref<10112x16xf32, #tpu.memory_space<vmem_shared>>) offsets(%dma_start3A_227 : memref<128xi32, #tpu.memory_space<vmem>>) semaphore(%dma_start3A_232 : memref<!tpu.dma_semaphore, #tpu.memory_space<semaphore_mem>>) {add = true}
      %dma_wait3A_233 = arith.constant 1 : i32
      %dma_wait3A_234 = arith.constant 1 : i32
      %dma_wait3A_235 = arith.constant 0 : i32
      %dma_wait3A_236 = arith.constant 0 : i32
      %dma_wait3A_237 = tpu.memref_slice %arg11[%dma_wait3A_233, %dma_wait3A_235, %dma_wait3A_236] : memref<4x128x16xf32, #tpu.memory_space<vmem>> -> memref<1x128x16xf32, #tpu.memory_space<vmem>>
      %dma_wait3A_238 = tpu.memref_squeeze %dma_wait3A_237 : memref<1x128x16xf32, #tpu.memory_space<vmem>> -> memref<128x16xf32, #tpu.memory_space<vmem>>
      %dma_wait3A_239 = arith.constant 0 : i32
      %dma_wait3A_240 = tpu.memref_slice %arg10[%add3A_204, %dma_wait3A_239] : memref<80x128xi32, #tpu.memory_space<vmem>> -> memref<1x128xi32, #tpu.memory_space<vmem>>
      %dma_wait3A_241 = tpu.memref_squeeze %dma_wait3A_240 : memref<1x128xi32, #tpu.memory_space<vmem>> -> memref<128xi32, #tpu.memory_space<vmem>>
      %dma_wait3A_242 = arith.constant 0 : i32
      %dma_wait3A_243 = arith.constant 0 : i32
      %dma_wait3A_244 = tpu.memref_slice %arg13[%dma_wait3A_242, %dma_wait3A_243] : memref<10112x16xf32, #tpu.memory_space<vmem_shared>> -> memref<10112x16xf32, #tpu.memory_space<vmem_shared>>
      %dma_wait3A_245 = tpu.memref_slice %arg15[%dma_wait3A_234] : memref<4x!tpu.dma_semaphore, #tpu.memory_space<semaphore_mem>> -> memref<1x!tpu.dma_semaphore, #tpu.memory_space<semaphore_mem>>
      %dma_wait3A_246 = tpu.memref_squeeze %dma_wait3A_245 : memref<1x!tpu.dma_semaphore, #tpu.memory_space<semaphore_mem>> -> memref<!tpu.dma_semaphore, #tpu.memory_space<semaphore_mem>>
      tpu.wait_indirect_dma semaphore(%dma_wait3A_246 : memref<!tpu.dma_semaphore, #tpu.memory_space<semaphore_mem>>) src(%dma_wait3A_238 : memref<128x16xf32, #tpu.memory_space<vmem>>) dst(%dma_wait3A_244 : memref<10112x16xf32, #tpu.memory_space<vmem_shared>>)
      %add3A_247 = arith.constant 4 : i32
      %add3A_248 = arith.addi %add3A_204, %add3A_247 : i32
      %rem3A_249 = arith.constant 80 : i32
      %rem3A_250 = arith.remsi %add3A_248, %rem3A_249 : i32
      %dma_start3A_251 = arith.constant 1 : i32
      %dma_start3A_252 = arith.constant 1 : i32
      %dma_start3A_253 = arith.constant 0 : i32
      %dma_start3A_254 = arith.constant 0 : i32
      %dma_start3A_255 = tpu.memref_slice %arg11[%dma_start3A_251, %dma_start3A_253, %dma_start3A_254] : memref<4x128x16xf32, #tpu.memory_space<vmem>> -> memref<1x128x16xf32, #tpu.memory_space<vmem>>
      %dma_start3A_256 = tpu.memref_squeeze %dma_start3A_255 : memref<1x128x16xf32, #tpu.memory_space<vmem>> -> memref<128x16xf32, #tpu.memory_space<vmem>>
      %dma_start3A_257 = arith.constant 0 : i32
      %dma_start3A_258 = tpu.memref_slice %arg9[%rem3A_250, %dma_start3A_257] : memref<80x128xi32, #tpu.memory_space<vmem>> -> memref<1x128xi32, #tpu.memory_space<vmem>>
      %dma_start3A_259 = tpu.memref_squeeze %dma_start3A_258 : memref<1x128xi32, #tpu.memory_space<vmem>> -> memref<128xi32, #tpu.memory_space<vmem>>
      %dma_start3A_260 = arith.constant 0 : i32
      %dma_start3A_261 = arith.constant 0 : i32
      %dma_start3A_262 = tpu.memref_slice %arg12[%dma_start3A_260, %dma_start3A_261] : memref<10112x16xf32, #tpu.memory_space<vmem_shared>> -> memref<10112x16xf32, #tpu.memory_space<vmem_shared>>
      %dma_start3A_263 = tpu.memref_slice %arg14[%dma_start3A_252] : memref<4x!tpu.dma_semaphore, #tpu.memory_space<semaphore_mem>> -> memref<1x!tpu.dma_semaphore, #tpu.memory_space<semaphore_mem>>
      %dma_start3A_264 = tpu.memref_squeeze %dma_start3A_263 : memref<1x!tpu.dma_semaphore, #tpu.memory_space<semaphore_mem>> -> memref<!tpu.dma_semaphore, #tpu.memory_space<semaphore_mem>>
      tpu.enqueue_indirect_dma source(%dma_start3A_262 : memref<10112x16xf32, #tpu.memory_space<vmem_shared>>) target(%dma_start3A_256 : memref<128x16xf32, #tpu.memory_space<vmem>>) offsets(%dma_start3A_259 : memref<128xi32, #tpu.memory_space<vmem>>) semaphore(%dma_start3A_264 : memref<!tpu.dma_semaphore, #tpu.memory_space<semaphore_mem>>)
      %add3A_265 = arith.constant 2 : i32
      %add3A_266 = arith.addi %mul3A_141, %add3A_265 : i32
      %dma_wait3A_267 = arith.constant 2 : i32
      %dma_wait3A_268 = arith.constant 2 : i32
      %dma_wait3A_269 = arith.constant 0 : i32
      %dma_wait3A_270 = arith.constant 0 : i32
      %dma_wait3A_271 = tpu.memref_slice %arg11[%dma_wait3A_267, %dma_wait3A_269, %dma_wait3A_270] : memref<4x128x16xf32, #tpu.memory_space<vmem>> -> memref<1x128x16xf32, #tpu.memory_space<vmem>>
      %dma_wait3A_272 = tpu.memref_squeeze %dma_wait3A_271 : memref<1x128x16xf32, #tpu.memory_space<vmem>> -> memref<128x16xf32, #tpu.memory_space<vmem>>
      %dma_wait3A_273 = arith.constant 0 : i32
      %dma_wait3A_274 = tpu.memref_slice %arg9[%add3A_266, %dma_wait3A_273] : memref<80x128xi32, #tpu.memory_space<vmem>> -> memref<1x128xi32, #tpu.memory_space<vmem>>
      %dma_wait3A_275 = tpu.memref_squeeze %dma_wait3A_274 : memref<1x128xi32, #tpu.memory_space<vmem>> -> memref<128xi32, #tpu.memory_space<vmem>>
      %dma_wait3A_276 = arith.constant 0 : i32
      %dma_wait3A_277 = arith.constant 0 : i32
      %dma_wait3A_278 = tpu.memref_slice %arg12[%dma_wait3A_276, %dma_wait3A_277] : memref<10112x16xf32, #tpu.memory_space<vmem_shared>> -> memref<10112x16xf32, #tpu.memory_space<vmem_shared>>
      %dma_wait3A_279 = tpu.memref_slice %arg14[%dma_wait3A_268] : memref<4x!tpu.dma_semaphore, #tpu.memory_space<semaphore_mem>> -> memref<1x!tpu.dma_semaphore, #tpu.memory_space<semaphore_mem>>
      %dma_wait3A_280 = tpu.memref_squeeze %dma_wait3A_279 : memref<1x!tpu.dma_semaphore, #tpu.memory_space<semaphore_mem>> -> memref<!tpu.dma_semaphore, #tpu.memory_space<semaphore_mem>>
      tpu.wait_indirect_dma semaphore(%dma_wait3A_280 : memref<!tpu.dma_semaphore, #tpu.memory_space<semaphore_mem>>) src(%dma_wait3A_278 : memref<10112x16xf32, #tpu.memory_space<vmem_shared>>) dst(%dma_wait3A_272 : memref<128x16xf32, #tpu.memory_space<vmem>>)
      %dma_start3A_281 = arith.constant 2 : i32
      %dma_start3A_282 = arith.constant 2 : i32
      %dma_start3A_283 = arith.constant 0 : i32
      %dma_start3A_284 = arith.constant 0 : i32
      %dma_start3A_285 = tpu.memref_slice %arg11[%dma_start3A_281, %dma_start3A_283, %dma_start3A_284] : memref<4x128x16xf32, #tpu.memory_space<vmem>> -> memref<1x128x16xf32, #tpu.memory_space<vmem>>
      %dma_start3A_286 = tpu.memref_squeeze %dma_start3A_285 : memref<1x128x16xf32, #tpu.memory_space<vmem>> -> memref<128x16xf32, #tpu.memory_space<vmem>>
      %dma_start3A_287 = arith.constant 0 : i32
      %dma_start3A_288 = tpu.memref_slice %arg10[%add3A_266, %dma_start3A_287] : memref<80x128xi32, #tpu.memory_space<vmem>> -> memref<1x128xi32, #tpu.memory_space<vmem>>
      %dma_start3A_289 = tpu.memref_squeeze %dma_start3A_288 : memref<1x128xi32, #tpu.memory_space<vmem>> -> memref<128xi32, #tpu.memory_space<vmem>>
      %dma_start3A_290 = arith.constant 0 : i32
      %dma_start3A_291 = arith.constant 0 : i32
      %dma_start3A_292 = tpu.memref_slice %arg13[%dma_start3A_290, %dma_start3A_291] : memref<10112x16xf32, #tpu.memory_space<vmem_shared>> -> memref<10112x16xf32, #tpu.memory_space<vmem_shared>>
      %dma_start3A_293 = tpu.memref_slice %arg15[%dma_start3A_282] : memref<4x!tpu.dma_semaphore, #tpu.memory_space<semaphore_mem>> -> memref<1x!tpu.dma_semaphore, #tpu.memory_space<semaphore_mem>>
      %dma_start3A_294 = tpu.memref_squeeze %dma_start3A_293 : memref<1x!tpu.dma_semaphore, #tpu.memory_space<semaphore_mem>> -> memref<!tpu.dma_semaphore, #tpu.memory_space<semaphore_mem>>
      tpu.enqueue_indirect_dma source(%dma_start3A_286 : memref<128x16xf32, #tpu.memory_space<vmem>>) target(%dma_start3A_292 : memref<10112x16xf32, #tpu.memory_space<vmem_shared>>) offsets(%dma_start3A_289 : memref<128xi32, #tpu.memory_space<vmem>>) semaphore(%dma_start3A_294 : memref<!tpu.dma_semaphore, #tpu.memory_space<semaphore_mem>>) {add = true}
      %dma_wait3A_295 = arith.constant 2 : i32
      %dma_wait3A_296 = arith.constant 2 : i32
      %dma_wait3A_297 = arith.constant 0 : i32
      %dma_wait3A_298 = arith.constant 0 : i32
      %dma_wait3A_299 = tpu.memref_slice %arg11[%dma_wait3A_295, %dma_wait3A_297, %dma_wait3A_298] : memref<4x128x16xf32, #tpu.memory_space<vmem>> -> memref<1x128x16xf32, #tpu.memory_space<vmem>>
      %dma_wait3A_300 = tpu.memref_squeeze %dma_wait3A_299 : memref<1x128x16xf32, #tpu.memory_space<vmem>> -> memref<128x16xf32, #tpu.memory_space<vmem>>
      %dma_wait3A_301 = arith.constant 0 : i32
      %dma_wait3A_302 = tpu.memref_slice %arg10[%add3A_266, %dma_wait3A_301] : memref<80x128xi32, #tpu.memory_space<vmem>> -> memref<1x128xi32, #tpu.memory_space<vmem>>
      %dma_wait3A_303 = tpu.memref_squeeze %dma_wait3A_302 : memref<1x128xi32, #tpu.memory_space<vmem>> -> memref<128xi32, #tpu.memory_space<vmem>>
      %dma_wait3A_304 = arith.constant 0 : i32
      %dma_wait3A_305 = arith.constant 0 : i32
      %dma_wait3A_306 = tpu.memref_slice %arg13[%dma_wait3A_304, %dma_wait3A_305] : memref<10112x16xf32, #tpu.memory_space<vmem_shared>> -> memref<10112x16xf32, #tpu.memory_space<vmem_shared>>
      %dma_wait3A_307 = tpu.memref_slice %arg15[%dma_wait3A_296] : memref<4x!tpu.dma_semaphore, #tpu.memory_space<semaphore_mem>> -> memref<1x!tpu.dma_semaphore, #tpu.memory_space<semaphore_mem>>
      %dma_wait3A_308 = tpu.memref_squeeze %dma_wait3A_307 : memref<1x!tpu.dma_semaphore, #tpu.memory_space<semaphore_mem>> -> memref<!tpu.dma_semaphore, #tpu.memory_space<semaphore_mem>>
      tpu.wait_indirect_dma semaphore(%dma_wait3A_308 : memref<!tpu.dma_semaphore, #tpu.memory_space<semaphore_mem>>) src(%dma_wait3A_300 : memref<128x16xf32, #tpu.memory_space<vmem>>) dst(%dma_wait3A_306 : memref<10112x16xf32, #tpu.memory_space<vmem_shared>>)
      %add3A_309 = arith.constant 4 : i32
      %add3A_310 = arith.addi %add3A_266, %add3A_309 : i32
      %rem3A_311 = arith.constant 80 : i32
      %rem3A_312 = arith.remsi %add3A_310, %rem3A_311 : i32
      %dma_start3A_313 = arith.constant 2 : i32
      %dma_start3A_314 = arith.constant 2 : i32
      %dma_start3A_315 = arith.constant 0 : i32
      %dma_start3A_316 = arith.constant 0 : i32
      %dma_start3A_317 = tpu.memref_slice %arg11[%dma_start3A_313, %dma_start3A_315, %dma_start3A_316] : memref<4x128x16xf32, #tpu.memory_space<vmem>> -> memref<1x128x16xf32, #tpu.memory_space<vmem>>
      %dma_start3A_318 = tpu.memref_squeeze %dma_start3A_317 : memref<1x128x16xf32, #tpu.memory_space<vmem>> -> memref<128x16xf32, #tpu.memory_space<vmem>>
      %dma_start3A_319 = arith.constant 0 : i32
      %dma_start3A_320 = tpu.memref_slice %arg9[%rem3A_312, %dma_start3A_319] : memref<80x128xi32, #tpu.memory_space<vmem>> -> memref<1x128xi32, #tpu.memory_space<vmem>>
      %dma_start3A_321 = tpu.memref_squeeze %dma_start3A_320 : memref<1x128xi32, #tpu.memory_space<vmem>> -> memref<128xi32, #tpu.memory_space<vmem>>
      %dma_start3A_322 = arith.constant 0 : i32
      %dma_start3A_323 = arith.constant 0 : i32
      %dma_start3A_324 = tpu.memref_slice %arg12[%dma_start3A_322, %dma_start3A_323] : memref<10112x16xf32, #tpu.memory_space<vmem_shared>> -> memref<10112x16xf32, #tpu.memory_space<vmem_shared>>
      %dma_start3A_325 = tpu.memref_slice %arg14[%dma_start3A_314] : memref<4x!tpu.dma_semaphore, #tpu.memory_space<semaphore_mem>> -> memref<1x!tpu.dma_semaphore, #tpu.memory_space<semaphore_mem>>
      %dma_start3A_326 = tpu.memref_squeeze %dma_start3A_325 : memref<1x!tpu.dma_semaphore, #tpu.memory_space<semaphore_mem>> -> memref<!tpu.dma_semaphore, #tpu.memory_space<semaphore_mem>>
      tpu.enqueue_indirect_dma source(%dma_start3A_324 : memref<10112x16xf32, #tpu.memory_space<vmem_shared>>) target(%dma_start3A_318 : memref<128x16xf32, #tpu.memory_space<vmem>>) offsets(%dma_start3A_321 : memref<128xi32, #tpu.memory_space<vmem>>) semaphore(%dma_start3A_326 : memref<!tpu.dma_semaphore, #tpu.memory_space<semaphore_mem>>)
      %add3A_327 = arith.constant 3 : i32
      %add3A_328 = arith.addi %mul3A_141, %add3A_327 : i32
      %dma_wait3A_329 = arith.constant 3 : i32
      %dma_wait3A_330 = arith.constant 3 : i32
      %dma_wait3A_331 = arith.constant 0 : i32
      %dma_wait3A_332 = arith.constant 0 : i32
      %dma_wait3A_333 = tpu.memref_slice %arg11[%dma_wait3A_329, %dma_wait3A_331, %dma_wait3A_332] : memref<4x128x16xf32, #tpu.memory_space<vmem>> -> memref<1x128x16xf32, #tpu.memory_space<vmem>>
      %dma_wait3A_334 = tpu.memref_squeeze %dma_wait3A_333 : memref<1x128x16xf32, #tpu.memory_space<vmem>> -> memref<128x16xf32, #tpu.memory_space<vmem>>
      %dma_wait3A_335 = arith.constant 0 : i32
      %dma_wait3A_336 = tpu.memref_slice %arg9[%add3A_328, %dma_wait3A_335] : memref<80x128xi32, #tpu.memory_space<vmem>> -> memref<1x128xi32, #tpu.memory_space<vmem>>
      %dma_wait3A_337 = tpu.memref_squeeze %dma_wait3A_336 : memref<1x128xi32, #tpu.memory_space<vmem>> -> memref<128xi32, #tpu.memory_space<vmem>>
      %dma_wait3A_338 = arith.constant 0 : i32
      %dma_wait3A_339 = arith.constant 0 : i32
      %dma_wait3A_340 = tpu.memref_slice %arg12[%dma_wait3A_338, %dma_wait3A_339] : memref<10112x16xf32, #tpu.memory_space<vmem_shared>> -> memref<10112x16xf32, #tpu.memory_space<vmem_shared>>
      %dma_wait3A_341 = tpu.memref_slice %arg14[%dma_wait3A_330] : memref<4x!tpu.dma_semaphore, #tpu.memory_space<semaphore_mem>> -> memref<1x!tpu.dma_semaphore, #tpu.memory_space<semaphore_mem>>
      %dma_wait3A_342 = tpu.memref_squeeze %dma_wait3A_341 : memref<1x!tpu.dma_semaphore, #tpu.memory_space<semaphore_mem>> -> memref<!tpu.dma_semaphore, #tpu.memory_space<semaphore_mem>>
      tpu.wait_indirect_dma semaphore(%dma_wait3A_342 : memref<!tpu.dma_semaphore, #tpu.memory_space<semaphore_mem>>) src(%dma_wait3A_340 : memref<10112x16xf32, #tpu.memory_space<vmem_shared>>) dst(%dma_wait3A_334 : memref<128x16xf32, #tpu.memory_space<vmem>>)
      %dma_start3A_343 = arith.constant 3 : i32
      %dma_start3A_344 = arith.constant 3 : i32
      %dma_start3A_345 = arith.constant 0 : i32
      %dma_start3A_346 = arith.constant 0 : i32
      %dma_start3A_347 = tpu.memref_slice %arg11[%dma_start3A_343, %dma_start3A_345, %dma_start3A_346] : memref<4x128x16xf32, #tpu.memory_space<vmem>> -> memref<1x128x16xf32, #tpu.memory_space<vmem>>
      %dma_start3A_348 = tpu.memref_squeeze %dma_start3A_347 : memref<1x128x16xf32, #tpu.memory_space<vmem>> -> memref<128x16xf32, #tpu.memory_space<vmem>>
      %dma_start3A_349 = arith.constant 0 : i32
      %dma_start3A_350 = tpu.memref_slice %arg10[%add3A_328, %dma_start3A_349] : memref<80x128xi32, #tpu.memory_space<vmem>> -> memref<1x128xi32, #tpu.memory_space<vmem>>
      %dma_start3A_351 = tpu.memref_squeeze %dma_start3A_350 : memref<1x128xi32, #tpu.memory_space<vmem>> -> memref<128xi32, #tpu.memory_space<vmem>>
      %dma_start3A_352 = arith.constant 0 : i32
      %dma_start3A_353 = arith.constant 0 : i32
      %dma_start3A_354 = tpu.memref_slice %arg13[%dma_start3A_352, %dma_start3A_353] : memref<10112x16xf32, #tpu.memory_space<vmem_shared>> -> memref<10112x16xf32, #tpu.memory_space<vmem_shared>>
      %dma_start3A_355 = tpu.memref_slice %arg15[%dma_start3A_344] : memref<4x!tpu.dma_semaphore, #tpu.memory_space<semaphore_mem>> -> memref<1x!tpu.dma_semaphore, #tpu.memory_space<semaphore_mem>>
      %dma_start3A_356 = tpu.memref_squeeze %dma_start3A_355 : memref<1x!tpu.dma_semaphore, #tpu.memory_space<semaphore_mem>> -> memref<!tpu.dma_semaphore, #tpu.memory_space<semaphore_mem>>
      tpu.enqueue_indirect_dma source(%dma_start3A_348 : memref<128x16xf32, #tpu.memory_space<vmem>>) target(%dma_start3A_354 : memref<10112x16xf32, #tpu.memory_space<vmem_shared>>) offsets(%dma_start3A_351 : memref<128xi32, #tpu.memory_space<vmem>>) semaphore(%dma_start3A_356 : memref<!tpu.dma_semaphore, #tpu.memory_space<semaphore_mem>>) {add = true}
      %dma_wait3A_357 = arith.constant 3 : i32
      %dma_wait3A_358 = arith.constant 3 : i32
      %dma_wait3A_359 = arith.constant 0 : i32
      %dma_wait3A_360 = arith.constant 0 : i32
      %dma_wait3A_361 = tpu.memref_slice %arg11[%dma_wait3A_357, %dma_wait3A_359, %dma_wait3A_360] : memref<4x128x16xf32, #tpu.memory_space<vmem>> -> memref<1x128x16xf32, #tpu.memory_space<vmem>>
      %dma_wait3A_362 = tpu.memref_squeeze %dma_wait3A_361 : memref<1x128x16xf32, #tpu.memory_space<vmem>> -> memref<128x16xf32, #tpu.memory_space<vmem>>
      %dma_wait3A_363 = arith.constant 0 : i32
      %dma_wait3A_364 = tpu.memref_slice %arg10[%add3A_328, %dma_wait3A_363] : memref<80x128xi32, #tpu.memory_space<vmem>> -> memref<1x128xi32, #tpu.memory_space<vmem>>
      %dma_wait3A_365 = tpu.memref_squeeze %dma_wait3A_364 : memref<1x128xi32, #tpu.memory_space<vmem>> -> memref<128xi32, #tpu.memory_space<vmem>>
      %dma_wait3A_366 = arith.constant 0 : i32
      %dma_wait3A_367 = arith.constant 0 : i32
      %dma_wait3A_368 = tpu.memref_slice %arg13[%dma_wait3A_366, %dma_wait3A_367] : memref<10112x16xf32, #tpu.memory_space<vmem_shared>> -> memref<10112x16xf32, #tpu.memory_space<vmem_shared>>
      %dma_wait3A_369 = tpu.memref_slice %arg15[%dma_wait3A_358] : memref<4x!tpu.dma_semaphore, #tpu.memory_space<semaphore_mem>> -> memref<1x!tpu.dma_semaphore, #tpu.memory_space<semaphore_mem>>
      %dma_wait3A_370 = tpu.memref_squeeze %dma_wait3A_369 : memref<1x!tpu.dma_semaphore, #tpu.memory_space<semaphore_mem>> -> memref<!tpu.dma_semaphore, #tpu.memory_space<semaphore_mem>>
      tpu.wait_indirect_dma semaphore(%dma_wait3A_370 : memref<!tpu.dma_semaphore, #tpu.memory_space<semaphore_mem>>) src(%dma_wait3A_362 : memref<128x16xf32, #tpu.memory_space<vmem>>) dst(%dma_wait3A_368 : memref<10112x16xf32, #tpu.memory_space<vmem_shared>>)
      %add3A_371 = arith.constant 4 : i32
      %add3A_372 = arith.addi %add3A_328, %add3A_371 : i32
      %rem3A_373 = arith.constant 80 : i32
      %rem3A_374 = arith.remsi %add3A_372, %rem3A_373 : i32
      %dma_start3A_375 = arith.constant 3 : i32
      %dma_start3A_376 = arith.constant 3 : i32
      %dma_start3A_377 = arith.constant 0 : i32
      %dma_start3A_378 = arith.constant 0 : i32
      %dma_start3A_379 = tpu.memref_slice %arg11[%dma_start3A_375, %dma_start3A_377, %dma_start3A_378] : memref<4x128x16xf32, #tpu.memory_space<vmem>> -> memref<1x128x16xf32, #tpu.memory_space<vmem>>
      %dma_start3A_380 = tpu.memref_squeeze %dma_start3A_379 : memref<1x128x16xf32, #tpu.memory_space<vmem>> -> memref<128x16xf32, #tpu.memory_space<vmem>>
      %dma_start3A_381 = arith.constant 0 : i32
      %dma_start3A_382 = tpu.memref_slice %arg9[%rem3A_374, %dma_start3A_381] : memref<80x128xi32, #tpu.memory_space<vmem>> -> memref<1x128xi32, #tpu.memory_space<vmem>>
      %dma_start3A_383 = tpu.memref_squeeze %dma_start3A_382 : memref<1x128xi32, #tpu.memory_space<vmem>> -> memref<128xi32, #tpu.memory_space<vmem>>
      %dma_start3A_384 = arith.constant 0 : i32
      %dma_start3A_385 = arith.constant 0 : i32
      %dma_start3A_386 = tpu.memref_slice %arg12[%dma_start3A_384, %dma_start3A_385] : memref<10112x16xf32, #tpu.memory_space<vmem_shared>> -> memref<10112x16xf32, #tpu.memory_space<vmem_shared>>
      %dma_start3A_387 = tpu.memref_slice %arg14[%dma_start3A_376] : memref<4x!tpu.dma_semaphore, #tpu.memory_space<semaphore_mem>> -> memref<1x!tpu.dma_semaphore, #tpu.memory_space<semaphore_mem>>
      %dma_start3A_388 = tpu.memref_squeeze %dma_start3A_387 : memref<1x!tpu.dma_semaphore, #tpu.memory_space<semaphore_mem>> -> memref<!tpu.dma_semaphore, #tpu.memory_space<semaphore_mem>>
      tpu.enqueue_indirect_dma source(%dma_start3A_386 : memref<10112x16xf32, #tpu.memory_space<vmem_shared>>) target(%dma_start3A_380 : memref<128x16xf32, #tpu.memory_space<vmem>>) offsets(%dma_start3A_383 : memref<128xi32, #tpu.memory_space<vmem>>) semaphore(%dma_start3A_388 : memref<!tpu.dma_semaphore, #tpu.memory_space<semaphore_mem>>)
    }
    %scan3A_74 = arith.constant 20 : i32
    %dma_wait3A = arith.constant 0 : i32
    %dma_wait3A_75 = arith.constant 0 : i32
    %dma_wait3A_76 = arith.constant 0 : i32
    %dma_wait3A_77 = arith.constant 0 : i32
    %dma_wait3A_78 = arith.constant 0 : i32
    %dma_wait3A_79 = tpu.memref_slice %arg11[%dma_wait3A_75, %dma_wait3A_77, %dma_wait3A_78] : memref<4x128x16xf32, #tpu.memory_space<vmem>> -> memref<1x128x16xf32, #tpu.memory_space<vmem>>
    %dma_wait3A_80 = tpu.memref_squeeze %dma_wait3A_79 : memref<1x128x16xf32, #tpu.memory_space<vmem>> -> memref<128x16xf32, #tpu.memory_space<vmem>>
    %dma_wait3A_81 = arith.constant 0 : i32
    %dma_wait3A_82 = tpu.memref_slice %arg9[%dma_wait3A, %dma_wait3A_81] : memref<80x128xi32, #tpu.memory_space<vmem>> -> memref<1x128xi32, #tpu.memory_space<vmem>>
    %dma_wait3A_83 = tpu.memref_squeeze %dma_wait3A_82 : memref<1x128xi32, #tpu.memory_space<vmem>> -> memref<128xi32, #tpu.memory_space<vmem>>
    %dma_wait3A_84 = arith.constant 0 : i32
    %dma_wait3A_85 = arith.constant 0 : i32
    %dma_wait3A_86 = tpu.memref_slice %arg12[%dma_wait3A_84, %dma_wait3A_85] : memref<10112x16xf32, #tpu.memory_space<vmem_shared>> -> memref<10112x16xf32, #tpu.memory_space<vmem_shared>>
    %dma_wait3A_87 = tpu.memref_slice %arg14[%dma_wait3A_76] : memref<4x!tpu.dma_semaphore, #tpu.memory_space<semaphore_mem>> -> memref<1x!tpu.dma_semaphore, #tpu.memory_space<semaphore_mem>>
    %dma_wait3A_88 = tpu.memref_squeeze %dma_wait3A_87 : memref<1x!tpu.dma_semaphore, #tpu.memory_space<semaphore_mem>> -> memref<!tpu.dma_semaphore, #tpu.memory_space<semaphore_mem>>
    tpu.wait_indirect_dma semaphore(%dma_wait3A_88 : memref<!tpu.dma_semaphore, #tpu.memory_space<semaphore_mem>>) src(%dma_wait3A_86 : memref<10112x16xf32, #tpu.memory_space<vmem_shared>>) dst(%dma_wait3A_80 : memref<128x16xf32, #tpu.memory_space<vmem>>)
    %dma_wait3A_89 = arith.constant 1 : i32
    %dma_wait3A_90 = arith.constant 1 : i32
    %dma_wait3A_91 = arith.constant 1 : i32
    %dma_wait3A_92 = arith.constant 0 : i32
    %dma_wait3A_93 = arith.constant 0 : i32
    %dma_wait3A_94 = tpu.memref_slice %arg11[%dma_wait3A_90, %dma_wait3A_92, %dma_wait3A_93] : memref<4x128x16xf32, #tpu.memory_space<vmem>> -> memref<1x128x16xf32, #tpu.memory_space<vmem>>
    %dma_wait3A_95 = tpu.memref_squeeze %dma_wait3A_94 : memref<1x128x16xf32, #tpu.memory_space<vmem>> -> memref<128x16xf32, #tpu.memory_space<vmem>>
    %dma_wait3A_96 = arith.constant 0 : i32
    %dma_wait3A_97 = tpu.memref_slice %arg9[%dma_wait3A_89, %dma_wait3A_96] : memref<80x128xi32, #tpu.memory_space<vmem>> -> memref<1x128xi32, #tpu.memory_space<vmem>>
    %dma_wait3A_98 = tpu.memref_squeeze %dma_wait3A_97 : memref<1x128xi32, #tpu.memory_space<vmem>> -> memref<128xi32, #tpu.memory_space<vmem>>
    %dma_wait3A_99 = arith.constant 0 : i32
    %dma_wait3A_100 = arith.constant 0 : i32
    %dma_wait3A_101 = tpu.memref_slice %arg12[%dma_wait3A_99, %dma_wait3A_100] : memref<10112x16xf32, #tpu.memory_space<vmem_shared>> -> memref<10112x16xf32, #tpu.memory_space<vmem_shared>>
    %dma_wait3A_102 = tpu.memref_slice %arg14[%dma_wait3A_91] : memref<4x!tpu.dma_semaphore, #tpu.memory_space<semaphore_mem>> -> memref<1x!tpu.dma_semaphore, #tpu.memory_space<semaphore_mem>>
    %dma_wait3A_103 = tpu.memref_squeeze %dma_wait3A_102 : memref<1x!tpu.dma_semaphore, #tpu.memory_space<semaphore_mem>> -> memref<!tpu.dma_semaphore, #tpu.memory_space<semaphore_mem>>
    tpu.wait_indirect_dma semaphore(%dma_wait3A_103 : memref<!tpu.dma_semaphore, #tpu.memory_space<semaphore_mem>>) src(%dma_wait3A_101 : memref<10112x16xf32, #tpu.memory_space<vmem_shared>>) dst(%dma_wait3A_95 : memref<128x16xf32, #tpu.memory_space<vmem>>)
    %dma_wait3A_104 = arith.constant 2 : i32
    %dma_wait3A_105 = arith.constant 2 : i32
    %dma_wait3A_106 = arith.constant 2 : i32
    %dma_wait3A_107 = arith.constant 0 : i32
    %dma_wait3A_108 = arith.constant 0 : i32
    %dma_wait3A_109 = tpu.memref_slice %arg11[%dma_wait3A_105, %dma_wait3A_107, %dma_wait3A_108] : memref<4x128x16xf32, #tpu.memory_space<vmem>> -> memref<1x128x16xf32, #tpu.memory_space<vmem>>
    %dma_wait3A_110 = tpu.memref_squeeze %dma_wait3A_109 : memref<1x128x16xf32, #tpu.memory_space<vmem>> -> memref<128x16xf32, #tpu.memory_space<vmem>>
    %dma_wait3A_111 = arith.constant 0 : i32
    %dma_wait3A_112 = tpu.memref_slice %arg9[%dma_wait3A_104, %dma_wait3A_111] : memref<80x128xi32, #tpu.memory_space<vmem>> -> memref<1x128xi32, #tpu.memory_space<vmem>>
    %dma_wait3A_113 = tpu.memref_squeeze %dma_wait3A_112 : memref<1x128xi32, #tpu.memory_space<vmem>> -> memref<128xi32, #tpu.memory_space<vmem>>
    %dma_wait3A_114 = arith.constant 0 : i32
    %dma_wait3A_115 = arith.constant 0 : i32
    %dma_wait3A_116 = tpu.memref_slice %arg12[%dma_wait3A_114, %dma_wait3A_115] : memref<10112x16xf32, #tpu.memory_space<vmem_shared>> -> memref<10112x16xf32, #tpu.memory_space<vmem_shared>>
    %dma_wait3A_117 = tpu.memref_slice %arg14[%dma_wait3A_106] : memref<4x!tpu.dma_semaphore, #tpu.memory_space<semaphore_mem>> -> memref<1x!tpu.dma_semaphore, #tpu.memory_space<semaphore_mem>>
    %dma_wait3A_118 = tpu.memref_squeeze %dma_wait3A_117 : memref<1x!tpu.dma_semaphore, #tpu.memory_space<semaphore_mem>> -> memref<!tpu.dma_semaphore, #tpu.memory_space<semaphore_mem>>
    tpu.wait_indirect_dma semaphore(%dma_wait3A_118 : memref<!tpu.dma_semaphore, #tpu.memory_space<semaphore_mem>>) src(%dma_wait3A_116 : memref<10112x16xf32, #tpu.memory_space<vmem_shared>>) dst(%dma_wait3A_110 : memref<128x16xf32, #tpu.memory_space<vmem>>)
    %dma_wait3A_119 = arith.constant 3 : i32
    %dma_wait3A_120 = arith.constant 3 : i32
    %dma_wait3A_121 = arith.constant 3 : i32
    %dma_wait3A_122 = arith.constant 0 : i32
    %dma_wait3A_123 = arith.constant 0 : i32
    %dma_wait3A_124 = tpu.memref_slice %arg11[%dma_wait3A_120, %dma_wait3A_122, %dma_wait3A_123] : memref<4x128x16xf32, #tpu.memory_space<vmem>> -> memref<1x128x16xf32, #tpu.memory_space<vmem>>
    %dma_wait3A_125 = tpu.memref_squeeze %dma_wait3A_124 : memref<1x128x16xf32, #tpu.memory_space<vmem>> -> memref<128x16xf32, #tpu.memory_space<vmem>>
    %dma_wait3A_126 = arith.constant 0 : i32
    %dma_wait3A_127 = tpu.memref_slice %arg9[%dma_wait3A_119, %dma_wait3A_126] : memref<80x128xi32, #tpu.memory_space<vmem>> -> memref<1x128xi32, #tpu.memory_space<vmem>>
    %dma_wait3A_128 = tpu.memref_squeeze %dma_wait3A_127 : memref<1x128xi32, #tpu.memory_space<vmem>> -> memref<128xi32, #tpu.memory_space<vmem>>
    %dma_wait3A_129 = arith.constant 0 : i32
    %dma_wait3A_130 = arith.constant 0 : i32
    %dma_wait3A_131 = tpu.memref_slice %arg12[%dma_wait3A_129, %dma_wait3A_130] : memref<10112x16xf32, #tpu.memory_space<vmem_shared>> -> memref<10112x16xf32, #tpu.memory_space<vmem_shared>>
    %dma_wait3A_132 = tpu.memref_slice %arg14[%dma_wait3A_121] : memref<4x!tpu.dma_semaphore, #tpu.memory_space<semaphore_mem>> -> memref<1x!tpu.dma_semaphore, #tpu.memory_space<semaphore_mem>>
    %dma_wait3A_133 = tpu.memref_squeeze %dma_wait3A_132 : memref<1x!tpu.dma_semaphore, #tpu.memory_space<semaphore_mem>> -> memref<!tpu.dma_semaphore, #tpu.memory_space<semaphore_mem>>
    tpu.wait_indirect_dma semaphore(%dma_wait3A_133 : memref<!tpu.dma_semaphore, #tpu.memory_space<semaphore_mem>>) src(%dma_wait3A_131 : memref<10112x16xf32, #tpu.memory_space<vmem_shared>>) dst(%dma_wait3A_125 : memref<128x16xf32, #tpu.memory_space<vmem>>)
    %barrier3A_134 = arith.constant 0 : index
    tpu.barrier barrier_id(%barrier3A_134)
    %mul3A_135 = arith.constant 632 : i32
    %mul3A_136 = arith.muli %arg1, %mul3A_135 : i32
    %mul3A_137 = arith.constant 632 : i32
    %mul3A_138 = arith.muli %arg1, %mul3A_137 : i32
    "tpu.region"() ({
      %run_scoped3A = tpu.sem_alloc : memref<!tpu.dma_semaphore, #tpu.memory_space<semaphore_mem>>
      %dma_start3A_139 = arith.constant 0 : i32
      %dma_start3A_140 = tpu.memref_slice %arg8[%arg0, %mul3A_138, %dma_start3A_139] : memref<2x10112x16xf32, #tpu.memory_space<hbm>> -> memref<1x632x16xf32, #tpu.memory_space<hbm>>
      %dma_start3A_141 = tpu.memref_squeeze %dma_start3A_140 : memref<1x632x16xf32, #tpu.memory_space<hbm>> -> memref<632x16xf32, #tpu.memory_space<hbm>>
      %dma_start3A_142 = arith.constant 0 : i32
      %dma_start3A_143 = tpu.memref_slice %arg13[%mul3A_136, %dma_start3A_142] : memref<10112x16xf32, #tpu.memory_space<vmem_shared>> -> memref<632x16xf32, #tpu.memory_space<vmem_shared>>
      tpu.enqueue_dma source(%dma_start3A_143 : memref<632x16xf32, #tpu.memory_space<vmem_shared>>) target(%dma_start3A_141 : memref<632x16xf32, #tpu.memory_space<hbm>>) target_semaphore(%run_scoped3A : memref<!tpu.dma_semaphore, #tpu.memory_space<semaphore_mem>>)
      %dma_wait3A_144 = arith.constant 0 : i32
      %dma_wait3A_145 = tpu.memref_slice %arg8[%arg0, %mul3A_138, %dma_wait3A_144] : memref<2x10112x16xf32, #tpu.memory_space<hbm>> -> memref<1x632x16xf32, #tpu.memory_space<hbm>>
      %dma_wait3A_146 = tpu.memref_squeeze %dma_wait3A_145 : memref<1x632x16xf32, #tpu.memory_space<hbm>> -> memref<632x16xf32, #tpu.memory_space<hbm>>
      %dma_wait3A_147 = arith.constant 0 : i32
      %dma_wait3A_148 = tpu.memref_slice %arg13[%mul3A_136, %dma_wait3A_147] : memref<10112x16xf32, #tpu.memory_space<vmem_shared>> -> memref<632x16xf32, #tpu.memory_space<vmem_shared>>
      tpu.wait_dma2 semaphore(%run_scoped3A : memref<!tpu.dma_semaphore, #tpu.memory_space<semaphore_mem>>) src(%dma_wait3A_148 : memref<632x16xf32, #tpu.memory_space<vmem_shared>>) dst(%dma_wait3A_146 : memref<632x16xf32, #tpu.memory_space<hbm>>)
      tpu.yield
    }) : () -> ()
    return
  }
}

module attributes {stable_mosaic.version = 14 : i64} {
  func.func @_t1_body(%arg0: i32, %arg1: memref<2000x128xf32, #tpu.memory_space<vmem>>, %arg2: memref<32x128xf32, #tpu.memory_space<vmem>>, %arg3: memref<32x128xf32, #tpu.memory_space<vmem>>, %arg4: memref<1x32xf32, #tpu.memory_space<vmem>>, %arg5: memref<2000x32xf32, #tpu.memory_space<vmem>>, %arg6: memref<2000x32xf32, #tpu.memory_space<vmem>>) attributes {dimension_semantics = [#tpu.dimension_semantics<arbitrary>], iteration_bounds = array<i64: 5>, scalar_prefetch = 0 : i64, scratch_operands = 0 : i64, tpu.core_type = #tpu.core_type<tc>, window_params = [{transform_indices = @transform_0, window_bounds = array<i64: 2000, 128>}, {pipeline_mode = #tpu.pipeline_mode<synchronous>, transform_indices = @transform_1, window_bounds = array<i64: 32, 128>}, {pipeline_mode = #tpu.pipeline_mode<synchronous>, transform_indices = @transform_2, window_bounds = array<i64: 32, 128>}, {pipeline_mode = #tpu.pipeline_mode<synchronous>, transform_indices = @transform_3, window_bounds = array<i64: 1, 32>}, {transform_indices = @transform_4, window_bounds = array<i64: 2000, 32>}, {transform_indices = @transform_5, window_bounds = array<i64: 2000, 32>}]} {
    %get3A = arith.constant 0 : index
    %get3A_0 = arith.constant 0 : index
    %get3A_1 = vector.load %arg1[%get3A, %get3A_0] : memref<2000x128xf32, #tpu.memory_space<vmem>>, vector<2000x128xf32>
    %get3A_2 = arith.constant 0 : index
    %get3A_3 = arith.constant 0 : index
    %get3A_4 = vector.load %arg2[%get3A_2, %get3A_3] : memref<32x128xf32, #tpu.memory_space<vmem>>, vector<32x128xf32>
    %dot_general3A = arith.constant dense<0.000000e+00> : vector<2000x32xf32>
    %dot_general3A_5 = tpu.matmul %get3A_1, %get3A_4, %dot_general3A {dimension_numbers = #tpu.dot_dimension_numbers<[1], [1], [0], [0], [0, 0, 1, 0], [], []>, transpose_lhs_hint = false} : vector<2000x128xf32>, vector<32x128xf32>, vector<2000x32xf32> -> vector<2000x32xf32>
    %swap3A = arith.constant 0 : index
    %swap3A_6 = arith.constant 0 : index
    %swap3A_7 = vector.load %arg5[%swap3A, %swap3A_6] : memref<2000x32xf32, #tpu.memory_space<vmem>>, vector<2000x32xf32>
    tpu.vector_store %arg5[%swap3A, %swap3A_6], %dot_general3A_5 {strides = array<i32>} : memref<2000x32xf32, #tpu.memory_space<vmem>>, vector<2000x32xf32>,
    %get3A_8 = arith.constant 0 : index
    %get3A_9 = arith.constant 0 : index
    %get3A_10 = vector.load %arg3[%get3A_8, %get3A_9] : memref<32x128xf32, #tpu.memory_space<vmem>>, vector<32x128xf32>
    %dot_general3A_11 = arith.constant dense<0.000000e+00> : vector<2000x32xf32>
    %dot_general3A_12 = tpu.matmul %get3A_1, %get3A_10, %dot_general3A_11 {dimension_numbers = #tpu.dot_dimension_numbers<[1], [1], [0], [0], [0, 0, 1, 0], [], []>, transpose_lhs_hint = false} : vector<2000x128xf32>, vector<32x128xf32>, vector<2000x32xf32> -> vector<2000x32xf32>
    %get3A_13 = arith.constant 0 : index
    %get3A_14 = arith.constant 0 : index
    %get3A_15 = vector.load %arg4[%get3A_13, %get3A_14] : memref<1x32xf32, #tpu.memory_space<vmem>>, vector<1x32xf32>
    %add3A = vector.broadcast %get3A_15 : vector<1x32xf32> to vector<2000x32xf32>
    %add3A_16 = arith.addf %dot_general3A_12, %add3A : vector<2000x32xf32>
    %swap3A_17 = arith.constant 0 : index
    %swap3A_18 = arith.constant 0 : index
    %swap3A_19 = vector.load %arg6[%swap3A_17, %swap3A_18] : memref<2000x32xf32, #tpu.memory_space<vmem>>, vector<2000x32xf32>
    tpu.vector_store %arg6[%swap3A_17, %swap3A_18], %add3A_16 {strides = array<i32>} : memref<2000x32xf32, #tpu.memory_space<vmem>>, vector<2000x32xf32>,
    return
  }
  func.func @transform_0(%arg0: i32) -> (i32, i32) {
    %c0_i32 = arith.constant 0 : i32
    %c0_i32_0 = arith.constant 0 : i32
    return %arg0, %c0_i32 : i32, i32
  }
  func.func @transform_1(%arg0: i32) -> (i32, i32) {
    %c0_i32 = arith.constant 0 : i32
    %c0_i32_0 = arith.constant 0 : i32
    %c0_i32_1 = arith.constant 0 : i32
    return %c0_i32, %c0_i32_0 : i32, i32
  }
  func.func @transform_2(%arg0: i32) -> (i32, i32) {
    %c0_i32 = arith.constant 0 : i32
    %c0_i32_0 = arith.constant 0 : i32
    %c0_i32_1 = arith.constant 0 : i32
    return %c0_i32, %c0_i32_0 : i32, i32
  }
  func.func @transform_3(%arg0: i32) -> (i32, i32) {
    %c0_i32 = arith.constant 0 : i32
    %c0_i32_0 = arith.constant 0 : i32
    %c0_i32_1 = arith.constant 0 : i32
    return %c0_i32, %c0_i32_0 : i32, i32
  }
  func.func @transform_4(%arg0: i32) -> (i32, i32) {
    %c0_i32 = arith.constant 0 : i32
    %c0_i32_0 = arith.constant 0 : i32
    return %arg0, %c0_i32 : i32, i32
  }
  func.func @transform_5(%arg0: i32) -> (i32, i32) {
    %c0_i32 = arith.constant 0 : i32
    %c0_i32_0 = arith.constant 0 : i32
    return %arg0, %c0_i32 : i32, i32
  }
}

module attributes {stable_mosaic.version = 14 : i64} {
  func.func @_t2_body(%arg0: i32, %arg1: memref<2x2000x32xf32, #tpu.memory_space<vmem>>, %arg2: memref<2x2000x8xf32, #tpu.memory_space<vmem>>, %arg3: memref<2000x32xf32, #tpu.memory_space<vmem>>, %arg4: memref<16x32xf32, #tpu.memory_space<vmem>>, %arg5: memref<16x32xf32, #tpu.memory_space<vmem>>, %arg6: memref<1x16xf32, #tpu.memory_space<vmem>>, %arg7: memref<2000x16xf32, #tpu.memory_space<vmem>>, %arg8: memref<2000x16xf32, #tpu.memory_space<vmem>>, %arg9: memref<2000x16xf32, #tpu.memory_space<vmem>>) attributes {dimension_semantics = [#tpu.dimension_semantics<arbitrary>], iteration_bounds = array<i64: 5>, scalar_prefetch = 0 : i64, scratch_operands = 0 : i64, tpu.core_type = #tpu.core_type<tc>, window_params = [{transform_indices = @transform_0, window_bounds = array<i64: 2, 2000, 32>}, {transform_indices = @transform_1, window_bounds = array<i64: 2, 2000, 8>}, {transform_indices = @transform_2, window_bounds = array<i64: 2000, 32>}, {pipeline_mode = #tpu.pipeline_mode<synchronous>, transform_indices = @transform_3, window_bounds = array<i64: 16, 32>}, {pipeline_mode = #tpu.pipeline_mode<synchronous>, transform_indices = @transform_4, window_bounds = array<i64: 16, 32>}, {pipeline_mode = #tpu.pipeline_mode<synchronous>, transform_indices = @transform_5, window_bounds = array<i64: 1, 16>}, {transform_indices = @transform_6, window_bounds = array<i64: 2000, 16>}, {transform_indices = @transform_7, window_bounds = array<i64: 2000, 16>}, {transform_indices = @transform_8, window_bounds = array<i64: 2000, 16>}]} {
    %get3A = arith.constant 0 : index
    %get3A_0 = arith.constant 0 : index
    %get3A_1 = arith.constant 0 : index
    %get3A_2 = vector.load %arg1[%get3A, %get3A_0, %get3A_1] : memref<2x2000x32xf32, #tpu.memory_space<vmem>>, vector<1x2000x32xf32>
    %get3A_3 = vector.shape_cast %get3A_2 : vector<1x2000x32xf32> to vector<2000x32xf32>
    %get3A_4 = arith.constant 1 : index
    %get3A_5 = arith.constant 0 : index
    %get3A_6 = arith.constant 0 : index
    %get3A_7 = vector.load %arg1[%get3A_4, %get3A_5, %get3A_6] : memref<2x2000x32xf32, #tpu.memory_space<vmem>>, vector<1x2000x32xf32>
    %get3A_8 = vector.shape_cast %get3A_7 : vector<1x2000x32xf32> to vector<2000x32xf32>
    %add3A = arith.addf %get3A_3, %get3A_8 : vector<2000x32xf32>
    %get3A_9 = arith.constant 0 : index
    %get3A_10 = arith.constant 0 : index
    %get3A_11 = arith.constant 0 : index
    %get3A_12 = vector.load %arg2[%get3A_9, %get3A_10, %get3A_11] : memref<2x2000x8xf32, #tpu.memory_space<vmem>>, vector<1x2000x1xf32>
    %get3A_13 = vector.shape_cast %get3A_12 : vector<1x2000x1xf32> to vector<2000x1xf32>
    %get3A_14 = arith.constant 1 : index
    %get3A_15 = arith.constant 0 : index
    %get3A_16 = arith.constant 0 : index
    %get3A_17 = vector.load %arg2[%get3A_14, %get3A_15, %get3A_16] : memref<2x2000x8xf32, #tpu.memory_space<vmem>>, vector<1x2000x1xf32>
    %get3A_18 = vector.shape_cast %get3A_17 : vector<1x2000x1xf32> to vector<2000x1xf32>
    %add3A_19 = arith.addf %get3A_13, %get3A_18 : vector<2000x1xf32>
    %max3A = arith.constant 1.000000e+00 : f32
    %max3A_20 = vector.broadcast %max3A : f32 to vector<2000x1xf32>
    %max3A_21 = arith.maximumf %add3A_19, %max3A_20 : vector<2000x1xf32>
    %div3A = arith.constant 1.000000e+00 : f32
    %div3A_22 = vector.broadcast %div3A : f32 to vector<2000x1xf32>
    %div3A_23 = arith.divf %div3A_22, %max3A_21 : vector<2000x1xf32>
    %mul3A = vector.broadcast %div3A_23 : vector<2000x1xf32> to vector<2000x32xf32>
    %mul3A_24 = arith.mulf %add3A, %mul3A : vector<2000x32xf32>
    %get3A_25 = arith.constant 0 : index
    %get3A_26 = arith.constant 0 : index
    %get3A_27 = vector.load %arg3[%get3A_25, %get3A_26] : memref<2000x32xf32, #tpu.memory_space<vmem>>, vector<2000x32xf32>
    %add3A_28 = arith.addf %mul3A_24, %get3A_27 : vector<2000x32xf32>
    %max3A_29 = arith.constant 0.000000e+00 : f32
    %max3A_30 = vector.broadcast %max3A_29 : f32 to vector<2000x32xf32>
    %max3A_31 = arith.maximumf %add3A_28, %max3A_30 : vector<2000x32xf32>
    %get3A_32 = arith.constant 0 : index
    %get3A_33 = arith.constant 0 : index
    %get3A_34 = vector.load %arg4[%get3A_32, %get3A_33] : memref<16x32xf32, #tpu.memory_space<vmem>>, vector<16x32xf32>
    %dot_general3A = arith.constant dense<0.000000e+00> : vector<2000x16xf32>
    %dot_general3A_35 = tpu.matmul %max3A_31, %get3A_34, %dot_general3A {dimension_numbers = #tpu.dot_dimension_numbers<[1], [1], [0], [0], [0, 0, 1, 0], [], []>, transpose_lhs_hint = false} : vector<2000x32xf32>, vector<16x32xf32>, vector<2000x16xf32> -> vector<2000x16xf32>
    %swap3A = arith.constant 0 : index
    %swap3A_36 = arith.constant 0 : index
    %swap3A_37 = vector.load %arg7[%swap3A, %swap3A_36] : memref<2000x16xf32, #tpu.memory_space<vmem>>, vector<2000x16xf32>
    tpu.vector_store %arg7[%swap3A, %swap3A_36], %dot_general3A_35 {strides = array<i32>} : memref<2000x16xf32, #tpu.memory_space<vmem>>, vector<2000x16xf32>,
    %get3A_38 = arith.constant 0 : index
    %get3A_39 = arith.constant 0 : index
    %get3A_40 = vector.load %arg5[%get3A_38, %get3A_39] : memref<16x32xf32, #tpu.memory_space<vmem>>, vector<16x32xf32>
    %dot_general3A_41 = arith.constant dense<0.000000e+00> : vector<2000x16xf32>
    %dot_general3A_42 = tpu.matmul %max3A_31, %get3A_40, %dot_general3A_41 {dimension_numbers = #tpu.dot_dimension_numbers<[1], [1], [0], [0], [0, 0, 1, 0], [], []>, transpose_lhs_hint = false} : vector<2000x32xf32>, vector<16x32xf32>, vector<2000x16xf32> -> vector<2000x16xf32>
    %get3A_43 = arith.constant 0 : index
    %get3A_44 = arith.constant 0 : index
    %get3A_45 = vector.load %arg6[%get3A_43, %get3A_44] : memref<1x16xf32, #tpu.memory_space<vmem>>, vector<1x16xf32>
    %add3A_46 = vector.broadcast %get3A_45 : vector<1x16xf32> to vector<2000x16xf32>
    %add3A_47 = arith.addf %dot_general3A_42, %add3A_46 : vector<2000x16xf32>
    %swap3A_48 = arith.constant 0 : index
    %swap3A_49 = arith.constant 0 : index
    %swap3A_50 = vector.load %arg8[%swap3A_48, %swap3A_49] : memref<2000x16xf32, #tpu.memory_space<vmem>>, vector<2000x16xf32>
    tpu.vector_store %arg8[%swap3A_48, %swap3A_49], %add3A_47 {strides = array<i32>} : memref<2000x16xf32, #tpu.memory_space<vmem>>, vector<2000x16xf32>,
    %broadcast_in_dim3A = vector.shape_cast %div3A_23 : vector<2000x1xf32> to vector<2000x1xf32>
    %broadcast_in_dim3A_51 = vector.broadcast %broadcast_in_dim3A : vector<2000x1xf32> to vector<2000x16xf32>
    %swap3A_52 = arith.constant 0 : index
    %swap3A_53 = arith.constant 0 : index
    %swap3A_54 = vector.load %arg9[%swap3A_52, %swap3A_53] : memref<2000x16xf32, #tpu.memory_space<vmem>>, vector<2000x16xf32>
    tpu.vector_store %arg9[%swap3A_52, %swap3A_53], %broadcast_in_dim3A_51 {strides = array<i32>} : memref<2000x16xf32, #tpu.memory_space<vmem>>, vector<2000x16xf32>,
    return
  }
  func.func @transform_0(%arg0: i32) -> (i32, i32, i32) {
    %c0_i32 = arith.constant 0 : i32
    %c0_i32_0 = arith.constant 0 : i32
    %c0_i32_1 = arith.constant 0 : i32
    return %c0_i32, %arg0, %c0_i32_0 : i32, i32, i32
  }
  func.func @transform_1(%arg0: i32) -> (i32, i32, i32) {
    %c0_i32 = arith.constant 0 : i32
    %c0_i32_0 = arith.constant 0 : i32
    %c0_i32_1 = arith.constant 0 : i32
    return %c0_i32, %arg0, %c0_i32_0 : i32, i32, i32
  }
  func.func @transform_2(%arg0: i32) -> (i32, i32) {
    %c0_i32 = arith.constant 0 : i32
    %c0_i32_0 = arith.constant 0 : i32
    return %arg0, %c0_i32 : i32, i32
  }
  func.func @transform_3(%arg0: i32) -> (i32, i32) {
    %c0_i32 = arith.constant 0 : i32
    %c0_i32_0 = arith.constant 0 : i32
    %c0_i32_1 = arith.constant 0 : i32
    return %c0_i32, %c0_i32_0 : i32, i32
  }
  func.func @transform_4(%arg0: i32) -> (i32, i32) {
    %c0_i32 = arith.constant 0 : i32
    %c0_i32_0 = arith.constant 0 : i32
    %c0_i32_1 = arith.constant 0 : i32
    return %c0_i32, %c0_i32_0 : i32, i32
  }
  func.func @transform_5(%arg0: i32) -> (i32, i32) {
    %c0_i32 = arith.constant 0 : i32
    %c0_i32_0 = arith.constant 0 : i32
    %c0_i32_1 = arith.constant 0 : i32
    return %c0_i32, %c0_i32_0 : i32, i32
  }
  func.func @transform_6(%arg0: i32) -> (i32, i32) {
    %c0_i32 = arith.constant 0 : i32
    %c0_i32_0 = arith.constant 0 : i32
    return %arg0, %c0_i32 : i32, i32
  }
  func.func @transform_7(%arg0: i32) -> (i32, i32) {
    %c0_i32 = arith.constant 0 : i32
    %c0_i32_0 = arith.constant 0 : i32
    return %arg0, %c0_i32 : i32, i32
  }
  func.func @transform_8(%arg0: i32) -> (i32, i32) {
    %c0_i32 = arith.constant 0 : i32
    %c0_i32_0 = arith.constant 0 : i32
    return %arg0, %c0_i32 : i32, i32
  }
}

module attributes {stable_mosaic.version = 14 : i64} {
  func.func @_t3_body(%arg0: i32, %arg1: memref<2x2000x16xf32, #tpu.memory_space<vmem>>, %arg2: memref<2000x16xf32, #tpu.memory_space<vmem>>, %arg3: memref<2000x16xf32, #tpu.memory_space<vmem>>, %arg4: memref<2x16xf32, #tpu.memory_space<vmem>>, %arg5: memref<1x2xf32, #tpu.memory_space<vmem>>, %arg6: memref<2000x2xf32, #tpu.memory_space<vmem>>) attributes {dimension_semantics = [#tpu.dimension_semantics<arbitrary>], iteration_bounds = array<i64: 5>, scalar_prefetch = 0 : i64, scratch_operands = 0 : i64, tpu.core_type = #tpu.core_type<tc>, window_params = [{transform_indices = @transform_0, window_bounds = array<i64: 2, 2000, 16>}, {transform_indices = @transform_1, window_bounds = array<i64: 2000, 16>}, {transform_indices = @transform_2, window_bounds = array<i64: 2000, 16>}, {pipeline_mode = #tpu.pipeline_mode<synchronous>, transform_indices = @transform_3, window_bounds = array<i64: 2, 16>}, {pipeline_mode = #tpu.pipeline_mode<synchronous>, transform_indices = @transform_4, window_bounds = array<i64: 1, 2>}, {transform_indices = @transform_5, window_bounds = array<i64: 2000, 2>}]} {
    %get3A = arith.constant 0 : index
    %get3A_0 = arith.constant 0 : index
    %get3A_1 = arith.constant 0 : index
    %get3A_2 = vector.load %arg1[%get3A, %get3A_0, %get3A_1] : memref<2x2000x16xf32, #tpu.memory_space<vmem>>, vector<1x2000x16xf32>
    %get3A_3 = vector.shape_cast %get3A_2 : vector<1x2000x16xf32> to vector<2000x16xf32>
    %get3A_4 = arith.constant 1 : index
    %get3A_5 = arith.constant 0 : index
    %get3A_6 = arith.constant 0 : index
    %get3A_7 = vector.load %arg1[%get3A_4, %get3A_5, %get3A_6] : memref<2x2000x16xf32, #tpu.memory_space<vmem>>, vector<1x2000x16xf32>
    %get3A_8 = vector.shape_cast %get3A_7 : vector<1x2000x16xf32> to vector<2000x16xf32>
    %add3A = arith.addf %get3A_3, %get3A_8 : vector<2000x16xf32>
    %get3A_9 = arith.constant 0 : index
    %get3A_10 = arith.constant 0 : index
    %get3A_11 = vector.load %arg3[%get3A_9, %get3A_10] : memref<2000x16xf32, #tpu.memory_space<vmem>>, vector<2000x16xf32>
    %mul3A = arith.mulf %add3A, %get3A_11 : vector<2000x16xf32>
    %get3A_12 = arith.constant 0 : index
    %get3A_13 = arith.constant 0 : index
    %get3A_14 = vector.load %arg2[%get3A_12, %get3A_13] : memref<2000x16xf32, #tpu.memory_space<vmem>>, vector<2000x16xf32>
    %add3A_15 = arith.addf %mul3A, %get3A_14 : vector<2000x16xf32>
    %max3A = arith.constant 0.000000e+00 : f32
    %max3A_16 = vector.broadcast %max3A : f32 to vector<2000x16xf32>
    %max3A_17 = arith.maximumf %add3A_15, %max3A_16 : vector<2000x16xf32>
    %get3A_18 = arith.constant 0 : index
    %get3A_19 = arith.constant 0 : index
    %get3A_20 = vector.load %arg4[%get3A_18, %get3A_19] : memref<2x16xf32, #tpu.memory_space<vmem>>, vector<2x16xf32>
    %dot_general3A = arith.constant dense<0.000000e+00> : vector<2000x2xf32>
    %dot_general3A_21 = tpu.matmul %max3A_17, %get3A_20, %dot_general3A {dimension_numbers = #tpu.dot_dimension_numbers<[1], [1], [0], [0], [0, 0, 1, 0], [], []>, transpose_lhs_hint = false} : vector<2000x16xf32>, vector<2x16xf32>, vector<2000x2xf32> -> vector<2000x2xf32>
    %get3A_22 = arith.constant 0 : index
    %get3A_23 = arith.constant 0 : index
    %get3A_24 = vector.load %arg5[%get3A_22, %get3A_23] : memref<1x2xf32, #tpu.memory_space<vmem>>, vector<1x2xf32>
    %add3A_25 = vector.broadcast %get3A_24 : vector<1x2xf32> to vector<2000x2xf32>
    %add3A_26 = arith.addf %dot_general3A_21, %add3A_25 : vector<2000x2xf32>
    %swap3A = arith.constant 0 : index
    %swap3A_27 = arith.constant 0 : index
    %swap3A_28 = vector.load %arg6[%swap3A, %swap3A_27] : memref<2000x2xf32, #tpu.memory_space<vmem>>, vector<2000x2xf32>
    tpu.vector_store %arg6[%swap3A, %swap3A_27], %add3A_26 {strides = array<i32>} : memref<2000x2xf32, #tpu.memory_space<vmem>>, vector<2000x2xf32>,
    return
  }
  func.func @transform_0(%arg0: i32) -> (i32, i32, i32) {
    %c0_i32 = arith.constant 0 : i32
    %c0_i32_0 = arith.constant 0 : i32
    %c0_i32_1 = arith.constant 0 : i32
    return %c0_i32, %arg0, %c0_i32_0 : i32, i32, i32
  }
  func.func @transform_1(%arg0: i32) -> (i32, i32) {
    %c0_i32 = arith.constant 0 : i32
    %c0_i32_0 = arith.constant 0 : i32
    return %arg0, %c0_i32 : i32, i32
  }
  func.func @transform_2(%arg0: i32) -> (i32, i32) {
    %c0_i32 = arith.constant 0 : i32
    %c0_i32_0 = arith.constant 0 : i32
    return %arg0, %c0_i32 : i32, i32
  }
  func.func @transform_3(%arg0: i32) -> (i32, i32) {
    %c0_i32 = arith.constant 0 : i32
    %c0_i32_0 = arith.constant 0 : i32
    %c0_i32_1 = arith.constant 0 : i32
    return %c0_i32, %c0_i32_0 : i32, i32
  }
  func.func @transform_4(%arg0: i32) -> (i32, i32) {
    %c0_i32 = arith.constant 0 : i32
    %c0_i32_0 = arith.constant 0 : i32
    %c0_i32_1 = arith.constant 0 : i32
    return %c0_i32, %c0_i32_0 : i32, i32
  }
  func.func @transform_5(%arg0: i32) -> (i32, i32) {
    %c0_i32 = arith.constant 0 : i32
    %c0_i32_0 = arith.constant 0 : i32
    return %arg0, %c0_i32 : i32, i32
  }
}

</mosaic_0001>

<sc_bundles>
// kernel: kernel.10.cloned.1.call-start
scs
__scs_entry_jumppad:
0x0: {  	(pc) =	sbr.rel $0x88, $3  }
0x1: {  	(tag) =	ssettag $0x0;
	lr =	simm.s32 $0x1  }
0x2: {  	[smem:$0x3F97] =	sst lr;
	_ =	strace $0xD0000000  }
0x3: {  	_ = 	snop  }
0x4: {  	_ = 	snop  }
0x5: {  	_ = 	snop  }
0x6: {  	_ = 	snop  }
0x7: {  	_ = 	snop  }
__scs_overlays_trampoline_lowered:
0x8: {  	[smem:$0x3FA6] =	sst s0  }
0x9: {  	[smem:$0x3FA7] =	sst s1  }
0xa: {  	[smem:$0x3FA8] =	sst s2  }
0xb: {  	[smem:$0x3FA9] =	sst s3  }
0xc: {  	[smem:$0x3FAA] =	sst s4  }
0xd: {  	[smem:$0x3FAB] =	sst s5  }
0xe: {  	[smem:$0x3FAC] =	sst s6  }
0xf: {  	[smem:$0x3FAD] =	sst s7  }
0x10: {  	[smem:$0x3FAE] =	sst s8  }
0x11: {  	[smem:$0x3FAF] =	sst s9;
	s0 =	simm.s32 @!p0 $0x0  }
0x12: {  	s1 =	sld [smem:$0x3F95];
	s0 =	simm.s32 @p0 $0x1  }
0x13: {  	[smem:$0x3FB0] =	sst s0;
	s0 =	simm.s32 @!p1 $0x0  }
0x14: {  	s2 =	sld [smem:$0x3F94];
	s0 =	simm.s32 @p1 $0x1  }
0x15: {  	[smem:$0x3FB1] =	sst s0;
	s0 =	simm.s32 @!p2 $0x0  }
0x16: {  	s3 =	sld [smem:$0x3FDB];
	s0 =	simm.s32 @p2 $0x1  }
0x17: {  	s4 =	simm.s32 $0x1BF5;
	[smem:$0x3FB3] =	sst s0  }
0x18: {  	s0 =	sld [smem:$0x3F96];
	_ =	swait.ge [sflag:s4], $0x0  }
0x19: {  	s7 =	sld [smem:$0x3F97]  }
0x1a: {  	s8 =	sadd.s32 $0xFFFFE003, lr  }
0x1b: {  	s9 =	sadd.s32 $0xFFFFFEF7, lr;
	s5 =	simm.s32 $0xFFFFFFFF;
	p2 =	slt.u32 s8, $0xFFFFF086  }
0x1c: {  	p1 =	slt.u32 s9, $0xF7A;
	s5 =	simm.s32 @!p2 $0x0  }
0x1d: {  	s5 =	simm.s32 @p1 $0x1;
	p0 =	seq.s32 s7, s2  }
0x1e: {  	s7 =	smul.u32 @!p0 $0xF7A, s2;
	p2 =	seq.s32 @!p0 s5, $0x0  }
0x1f: {  	s9 =	smul.u32 $0xF7A, s1;
	s8 =	simm.s32 @!p0 $0x1BF5;
	p2 =	por !p2, p0  }
0x20: {  	[sflag:s8] =	ssyncset.s32 @!p0 $0xFFFFF086;
	s6 =	sadd.s32 @!p0 s3, s7;
	s7 =	simm.s32 @!p0 $0x108  }
0x21: {  	s3 =	sadd.s32 s3, s9;
	s6 =	sadd.s32 @!p0 $0x88, s6;
	s7 =	simm.s32 @p2 $0x1082  }
0x22: {  	[simem:s7], [sflag:s8] =	dma.local @!p0 [hbm:s6], $0xF7A  }
0x23: {  	s9 =	sor.u32 $0xD0000000, s2;
	s6 =	simm.s32 $0x108;
	_ =	swait.ge @!p0 [sflag:s8], $0x0  }
0x24: {  	s3 =	sadd.s32 $0x88, s3;
	s6 =	simm.s32 @!p1 $0x1082;
	[sflag:s4] =	ssyncset.s32 $0xFFFFF086  }
0x25: {  	[simem:s6], [sflag:s4] =	dma.local [hbm:s3], $0xF7A  }
0x26: {  	[smem:$0x3F97] =	sst s1;
	(tag) =	ssettag s2;
	_ =	strace s9  }
0x27: {  	s1 =	sld [smem:$0x3FA7]  }
0x28: {  	s2 =	sld [smem:$0x3FA8]  }
0x29: {  	s4 =	sld [smem:$0x3FAA]  }
0x2a: {  	p0 =	seq.s32 s5, $0x0;
	s5 =	sld [smem:$0x3FAB]  }
0x2b: {  	s6 =	sld [smem:$0x3FAC]  }
0x2c: {  	s7 =	sld [smem:$0x3FAD]  }
0x2d: {  	s3 =	simm.s32 $0x108;
	s8 =	sld [smem:$0x3FAE]  }
0x2e: {  	s3 =	simm.s32 @!p0 $0x1082;
	s9 =	sld [smem:$0x3FAF]  }
0x2f: {  	lr =	sadd.s32 s0, s3;
	s0 =	sld [smem:$0x3FA6]  }
0x30: {  	s3 =	sld [smem:$0x3FA9]  }
0x31: {  	[smem:$0x3FB2] =	sst s10  }
0x32: {  	s10 =	sld [smem:$0x3FB0];
	_ =	sdelay $0x3  }
0x33: {  	p0 =	seq.s32 s10, $0x1;
	s10 =	sld [smem:$0x3FB2];
	_ =	sdelay $0x3  }
0x34: {  	[smem:$0x3FB2] =	sst s10  }
0x35: {  	s10 =	sld [smem:$0x3FB1];
	_ =	sdelay $0x3  }
0x36: {  	p1 =	seq.s32 s10, $0x1;
	s10 =	sld [smem:$0x3FB2];
	_ =	sdelay $0x3  }
0x37: {  	[smem:$0x3FB2] =	sst s10  }
0x38: {  	s10 =	sld [smem:$0x3FB3]  }
0x39: {  	_ = 	snop;
	(pc) =	sbr.ind lr, $3  }
0x3a: {  	_ = 	snop  }
0x3b: {  	_ = 	snop  }
0x3c: {  	p2 =	seq.s32 s10, $0x1;
	s10 =	sld [smem:$0x3FB2]  }
0x3d: {  	_ =	shalt  }
0x3e: {  	_ =	shalt  }
0x3f: {  	_ =	shalt  }
0x40: {  	_ =	shalt  }
0x41: {  	_ =	shalt  }
0x42: {  	_ =	shalt  }
0x43: {  	_ =	shalt  }
0x44: {  	_ =	shalt  }
0x45: {  	_ =	shalt  }
0x46: {  	_ =	shalt  }
0x47: {  	_ =	shalt  }
0x48: {  	_ =	shalt  }
0x49: {  	_ =	shalt  }
0x4a: {  	_ =	shalt  }
0x4b: {  	_ =	shalt  }
0x4c: {  	_ =	shalt  }
0x4d: {  	_ =	shalt  }
0x4e: {  	_ =	shalt  }
0x4f: {  	_ =	shalt  }
0x50: {  	_ =	shalt  }
0x51: {  	_ =	shalt  }
0x52: {  	_ =	shalt  }
0x53: {  	_ =	shalt  }
0x54: {  	_ =	shalt  }
0x55: {  	_ =	shalt  }
0x56: {  	_ =	shalt  }
0x57: {  	_ =	shalt  }
0x58: {  	_ =	shalt  }
0x59: {  	_ =	shalt  }
0x5a: {  	_ =	shalt  }
0x5b: {  	_ =	shalt  }
0x5c: {  	_ =	shalt  }
0x5d: {  	_ =	shalt  }
0x5e: {  	_ =	shalt  }
0x5f: {  	_ =	shalt  }
0x60: {  	_ =	shalt  }
0x61: {  	_ =	shalt  }
0x62: {  	_ =	shalt  }
0x63: {  	_ =	shalt  }
0x64: {  	_ =	shalt  }
0x65: {  	_ =	shalt  }
0x66: {  	_ =	shalt  }
0x67: {  	_ =	shalt  }
0x68: {  	_ =	shalt  }
0x69: {  	_ =	shalt  }
0x6a: {  	_ =	shalt  }
0x6b: {  	_ =	shalt  }
0x6c: {  	_ =	shalt  }
0x6d: {  	_ =	shalt  }
0x6e: {  	_ =	shalt  }
0x6f: {  	_ =	shalt  }
0x70: {  	_ =	shalt  }
0x71: {  	_ =	shalt  }
0x72: {  	_ =	shalt  }
0x73: {  	_ =	shalt  }
0x74: {  	_ =	shalt  }
0x75: {  	_ =	shalt  }
0x76: {  	_ =	shalt  }
0x77: {  	_ =	shalt  }
0x78: {  	_ =	shalt  }
0x79: {  	_ =	shalt  }
0x7a: {  	_ =	shalt  }
0x7b: {  	_ =	shalt  }
0x7c: {  	_ =	shalt  }
0x7d: {  	_ =	shalt  }
0x7e: {  	_ =	shalt  }
0x7f: {  	_ =	shalt  }
0x80: {  	_ =	shalt  }
0x81: {  	_ =	shalt  }
0x82: {  	_ =	shalt  }
0x83: {  	_ =	shalt  }
0x84: {  	_ =	shalt  }
0x85: {  	_ =	shalt  }
0x86: {  	_ =	shalt  }
0x87: {  	_ =	shalt  }
.Lfunc_end0:
.L_simem_size_0:
called_computation.1_lowered:
.L_overlay_start_0:
0x88: {  	s2 =	sld [smem:$0x3FD9]  }
0x89: {  	s3 =	sld [smem:$0x3FFE];
	_ =	sdelay $0x1  }
0x8a: {  	s1 =	srdreg.scid  }
0x8b: {  	s0 =	sand.u32 $0x1, s1  }
0x8c: {  	s17 =	sshll.u32 s0, $0xA;
	s2 =	sadd.s32 s3, s2  }
0x8d: {  	s2 =	sadd.s32 s2, s17  }
0x8e: {  	[smem:$0x3FBE] =	sst s2  }
0x8f: {  	_ = 	snop  }
0x90: {  	s2 =	sld [smem:$0x3FD0];
	(tm) =	ssettm $0x1  }
0x91: {  	s18 =	sld [smem:$0x3FFB];
	_ =	sdelay $0x3  }
0x92: {  	_ =	strace s18  }
0x93: {  	s3 =	sld [smem:$0x3FFC];
	_ =	sdelay $0x3  }
0x94: {  	_ =	strace s3  }
0x95: {  	s3 =	sld [smem:$0x3FFD];
	_ =	sdelay $0x3  }
0x96: {  	_ =	strace s3  }
0x97: {  	_ =	strace $0x8FFFFFFF  }
0x98: {  	s19 =	sld [smem:$0x3FDB];
	_ =	sdelay $0x1  }
0x99: {  	s4 =	simm.s32 $_scs_section_size  }
0x9a: {  	s5 =	simm.s32 $_size__tile_overlayer_lowered;
	s6 =	simm.s32 $_tile_overlayer_lowered  }
0x9b: {  	s22 =	simm.s32 $0x1BFF;
	s21 =	sshll.u32 s6, $0x1;
	s3 =	sadd.s32 s4, s19  }
0x9c: {  	s7 =	simm.s32 $0x0;
	s20 =	sshll.u32 s5, $0x1;
	s5 =	sadd.s32 s21, s3  }
0x9d: {  	[timem:s7], [sflag:s22] =	dma.local [hbm:s5], s20  }
0x9e: {  	_ =	swait.ge [sflag:s22], s20  }
0x9f: {  	s4 =	ssub.s32 $0x0, s20;
	[sflag:s22] =	ssyncset.done $0x0  }
0xa0: {  	[sflag:s22] =	ssyncadd.s32 s4;
	_ =	sdelay $0x1  }
0xa1: {  	s23 =	simm.s32 $0x1B8B  }
0xa2: {  	_ =	swait.ge [sflag:s23], $0x1  }
0xa3: {  	[sflag:s23] =	ssyncset.done $0x0  }
0xa4: {  	s25 =	simm.s32 $0x1B8E;
	s24 =	sld [smem:$0x3FFE];
	[sflag:s23] =	ssyncadd.s32 $0xFFFFFFFF  }
0xa5: {  	s26 =	simm.s32 $execute0_lowered;
	[smem:$0x3FD2] =	sst s25  }
0xa6: {  	s5 =	sshll.u32 s26, $0x1;
	_ =	strace $0x80000049;
	[dreg:$0x1] =	wrdreg $0xFFFFFFFF  }
0xa7: {  	s28 =	simm.s32 $_size_execute0_lowered;
	s3 =	sadd.s32 s3, s5;
	[dreg:$0x0] =	wrdreg $0x0  }
0xa8: {  	s5 =	sshll.u32 s28, $0x1;
	[dreg:$0x2] =	wrdreg s3  }
0xa9: {  	[dreg:$0x3] =	wrdreg s5  }
0xaa: {  	[dreg:$0x4] =	wrdreg $0xC0  }
0xab: {  	_ =	task [dreg:s7], $0x5FFFF  }
0xac: {  	[dreg:$0x1] =	wrdreg $0xFFFFFFFF  }
0xad: {  	[dreg:$0x0] =	wrdreg $0x60  }
0xae: {  	[dreg:$0x2] =	wrdreg s24  }
0xaf: {  	[dreg:$0x3] =	wrdreg s2  }
0xb0: {  	[dreg:$0x4] =	wrdreg $0x70000  }
0xb1: {  	[dreg:$0x5] =	wrdreg $0x97800  }
0xb2: {  	[dreg:$0x6] =	wrdreg $0x9  }
0xb3: {  	_ =	task.clear_ibuf [dreg:s7], $0x7FFFF;
	_ =	strace $0x90000049  }
0xb4: {  	s29 =	simm.s32 $0x9;
	_ =	strace $0x8000004B  }
0xb5: {  	_ =	swait.ge [sflag:s29], $0x1  }
0xb6: {  	[sflag:s29] =	ssyncadd.s32 $0xFFFFFFFF  }
0xb7: {  	_ =	strace $0x9000004B  }
0xb8: {  	_ =	sfence  }
0xb9: {  	s30 =	sld [smem:$0x0];
	_ =	sdelay $0x2  }
0xba: {  	s31 =	sshll.u32 s1, $0xD;
	s1 =	sshrl.u32 s1, $0x2  }
0xbb: {  	s3 =	sand.u32 $0x4000, s31;
	s1 =	sadd.s32 s1, s30  }
0xbc: {  	s0 =	sor.u32 s3, s0;
	s1 =	sshll.u32 s1, $0x11  }
0xbd: {  	s0 =	sor.u32 s1, s0  }
0xbe: {  	s0 =	sadd.s32 $0x8F2B, s0  }
0xbf: {  	[sflag:s0] =	ssyncadd.remote.s32 $0x1  }
0xc0: {  	_ =	sfence.sel $0xFFFF  }
0xc1: {  	[dreg:$0x0] =	wrdreg $0xFFFFFFFF;
	(pc) =	sbr.abs _section_cstart, $3  }
0xc2: {  	[dreg:$0x1] =	wrdreg $0xFFFFFFFF  }
0xc3: {  	_ =	task.clear_ibuf [dreg:s7], $0x2FFFF;
	_ =	strace $0x9FFFFFFF  }
0xc4: {  	(tm) =	ssettm $0x7FFFFFFF  }
0xc5: {  	_ =	shalt  }
tec
execute0_lowered:
.L_overlay_start_1:
0x0: {  	(tag) =	ssettag $0x1  }
0x1: {  	s0 =	rddreg [dreg:$0x0]  }
0x2: {  	s1 =	srdreg.scid;
	s3 =	rddreg [dreg:$0x2]  }
0x3: {  	s10 =	stileid.u32;
	s4 =	rddreg [dreg:$0x3];
	s5 =	simm.s32 $0x0  }
0x4: {  	s13 =	simm.s32 $0x9;
	s16 =	simm.s32 $0x80;
	s17 =	simm.s32 $0x5000  }
0x5: {  	s18 =	simm.s32 $0x5800;
	s19 =	simm.s32 $0x100;
	s20 =	simm.s32 $0x6000  }
0x6: {  	s21 =	simm.s32 $0x180;
	s22 =	simm.s32 $0x6800;
	s23 =	simm.s32 $0x1  }
0x7: {  	s24 =	simm.s32 $0x5;
	s25 =	simm.s32 $0x2;
	s28 =	simm.s32 $0x3  }
0x8: {  	s29 =	simm.s32 $0x7;
	s30 =	simm.s32 $0x4;
	s31 =	simm.s32 $0x8  }
0x9: {  	s1 =	sand.u32 $0x1, s1;
	s2 =	sshll.u32 s10, $0x1;
	s8 =	smul.u32 $0x2780, s10  }
0xa: {  	[smem:$0x7FF] =	sst s5;
	s26 =	sshll.u32 s10, $0x6;
	s2 =	sor.u32 s1, s2  }
0xb: {  	s6 =	smul.u32 $0x27800, s1;
	_ =	strace $0x8000004A;
	s1 =	ssub.s32 $0x2, s1  }
0xc: {  	s2 =	smul.u32 $0x500, s2;
	s7 =	sshrl.u32 s8, $0x3;
	s9 =	sshrl.u32 s1, $0x1  }
0xd: {  	s12 =	sadd.s32 s8, s3;
	s14 =	sadd.s32 s8, s4;
	s6 =	sadd.s32 s8, s6  }
0xe: {  	s7 =	sadd.s32 s7, s0;
	s1 =	ssub.s32 s1, s9;
	s12 =	sshrl.u32 s12, $0x3  }
0xf: {  	s14 =	sshrl.u32 s14, $0x3;
	s2 =	sadd.s32 s2, s0;
	s6 =	sshrl.u32 s6, $0x3  }
0x10: {  	s11 =	smax.u32 s1, $0x1;
	s0 =	sadd.s32 s6, s0;
	s6 =	sadd.s32 $0x1C00, s7  }
0x11: {  	s7 =	sor.u32 $0x1C09, s26;
	s8 =	sadd.s32 $0x15A00, s2;
	s9 =	sadd.s32 $0xBA00, s2  }
0x12: {  	s26 =	simm.s32 $0x6;
	s2 =	simm.s32 $0x0;
	s10 =	sadd.s32 $0x20000, s0  }
.LBB2_1:
0x13: {  	[spmem:s12], [sflag:s7] =	dma.local [hbm:s6], $0x4F0  }
0x14: {  	_ =	swait.ge [sflag:s13], $0x4F0  }
0x15: {  	[sflag:s13] =	ssyncset.done $0x0  }
0x16: {  	[sflag:s13] =	ssyncadd.s32 $0xFFFFFB10  }
0x17: {  	s0 =	rddreg [dreg:$0x1]  }
0x18: {  	[spmem:s14], [sflag:s7] =	dma.local [hbm:s0], $0x4F0  }
0x19: {  	_ =	swait.ge [sflag:s13], $0x4F0  }
0x1a: {  	[sflag:s13] =	ssyncset.done $0x0  }
0x1b: {  	[sflag:s13] =	ssyncadd.s32 $0xFFFFFB10  }
0x1c: {  	[tilespmem:s5], [sflag:$0x9] =	stream.linear.gather [hbm4b:s8+s5], $0x2800, $0x38;
	[tilespmem:$0xBF00] =	vst v63  }
0x1d: {  	_ =	swait.ge [sflag:s13], $0x2800  }
0x1e: {  	[sflag:s13] =	ssyncset.done $0x0  }
0x1f: {  	s1 =	simm.s32 $0x2800;
	[sflag:s13] =	ssyncadd.s32 $0xFFFFD800  }
0x20: {  	[tilespmem:s1], [sflag:$0x9] =	stream.linear.gather [hbm4b:s9+s5], $0x2800, $0x38;
	[tilespmem:$0xBF00] =	vst v63  }
0x21: {  	_ =	swait.ge [sflag:s13], $0x2800  }
0x22: {  	[sflag:s13] =	ssyncset.done $0x0  }
0x23: {  	[sflag:s13] =	ssyncadd.s32 $0xFFFFD800  }
0x24: {  	[bflag:$0x0] =	sbarrier.arrive $0xFFFF  }
0x25: {  	[tilespmem:s17], [sflag:$0x1] =	stream.indirect.gather [spmem:s3], $0x10, s5, s16, $0xb8;
	[tilespmem:$0xBF00] =	vst v63  }
0x26: {  	_ = 	snop  }
0x27: {  	[tilespmem:s18], [sflag:$0x2] =	stream.indirect.gather [spmem:s3], $0x10, s16, s16, $0xb8;
	[tilespmem:$0xBF00] =	vst v63  }
0x28: {  	_ = 	snop  }
0x29: {  	[tilespmem:s20], [sflag:$0x3] =	stream.indirect.gather [spmem:s3], $0x10, s19, s16, $0xb8;
	[tilespmem:$0xBF00] =	vst v63  }
0x2a: {  	_ = 	snop  }
0x2b: {  	[tilespmem:s22], [sflag:$0x4] =	stream.indirect.gather [spmem:s3], $0x10, s21, s16, $0xb8;
	[tilespmem:$0xBF00] =	vst v63  }
0x2c: {  	_ =	swait.ge [sflag:s23], $0x800  }
0x2d: {  	[sflag:s23] =	ssyncset.done $0x0  }
0x2e: {  	s15 =	simm.s32 $0x2800;
	[sflag:s23] =	ssyncadd.s32 $0xFFFFF800  }
0x2f: {  	[spmem:s4] =	stream.indirect.scatter.add.f32 [tilespmem:s17], [sflag:$0x5], $0x10, s15, s16, $0xb8;
	[tilespmem:$0xBF00] =	vst v63  }
0x30: {  	_ =	swait.ge [sflag:s24], $0x800  }
0x31: {  	[sflag:s24] =	ssyncset.done $0x0  }
0x32: {  	s1 =	simm.s32 $0x200;
	[sflag:s24] =	ssyncadd.s32 $0xFFFFF800  }
0x33: {  	[tilespmem:s17], [sflag:$0x1] =	stream.indirect.gather [spmem:s3], $0x10, s1, s16, $0xb8;
	[tilespmem:$0xBF00] =	vst v63  }
0x34: {  	_ =	swait.ge [sflag:s25], $0x800  }
0x35: {  	[sflag:s25] =	ssyncset.done $0x0  }
0x36: {  	s15 =	simm.s32 $0x2880;
	[sflag:s25] =	ssyncadd.s32 $0xFFFFF800  }
0x37: {  	[spmem:s4] =	stream.indirect.scatter.add.f32 [tilespmem:s18], [sflag:$0x6], $0x10, s15, s16, $0xb8;
	[tilespmem:$0xBF00] =	vst v63  }
0x38: {  	_ =	swait.ge [sflag:s26], $0x800  }
0x39: {  	[sflag:s26] =	ssyncset.done $0x0  }
0x3a: {  	s1 =	simm.s32 $0x280;
	[sflag:s26] =	ssyncadd.s32 $0xFFFFF800  }
0x3b: {  	[tilespmem:s18], [sflag:$0x2] =	stream.indirect.gather [spmem:s3], $0x10, s1, s16, $0xb8;
	[tilespmem:$0xBF00] =	vst v63  }
0x3c: {  	_ =	swait.ge [sflag:s28], $0x800  }
0x3d: {  	[sflag:s28] =	ssyncset.done $0x0  }
0x3e: {  	s15 =	simm.s32 $0x2900;
	[sflag:s28] =	ssyncadd.s32 $0xFFFFF800  }
0x3f: {  	[spmem:s4] =	stream.indirect.scatter.add.f32 [tilespmem:s20], [sflag:$0x7], $0x10, s15, s16, $0xb8;
	[tilespmem:$0xBF00] =	vst v63  }
0x40: {  	_ =	swait.ge [sflag:s29], $0x800  }
0x41: {  	[sflag:s29] =	ssyncset.done $0x0  }
0x42: {  	s1 =	simm.s32 $0x300;
	[sflag:s29] =	ssyncadd.s32 $0xFFFFF800  }
0x43: {  	[tilespmem:s20], [sflag:$0x3] =	stream.indirect.gather [spmem:s3], $0x10, s1, s16, $0xb8;
	[tilespmem:$0xBF00] =	vst v63  }
0x44: {  	_ =	swait.ge [sflag:s30], $0x800  }
0x45: {  	[sflag:s30] =	ssyncset.done $0x0  }
0x46: {  	s15 =	simm.s32 $0x2980;
	[sflag:s30] =	ssyncadd.s32 $0xFFFFF800  }
0x47: {  	[spmem:s4] =	stream.indirect.scatter.add.f32 [tilespmem:s22], [sflag:$0x8], $0x10, s15, s16, $0xb8;
	[tilespmem:$0xBF00] =	vst v63  }
0x48: {  	_ =	swait.ge [sflag:s31], $0x800  }
0x49: {  	[sflag:s31] =	ssyncset.done $0x0  }
0x4a: {  	s0 =	simm.s32 $0x800;
	s1 =	simm.s32 $0x380;
	[sflag:s31] =	ssyncadd.s32 $0xFFFFF800  }
.LBB2_2:
0x4b: {  	[tilespmem:s22], [sflag:$0x4] =	stream.indirect.gather [spmem:s3], $0x10, s1, s16, $0xb8;
	[tilespmem:$0xBF00] =	vst v63  }
0x4c: {  	s1 =	smov.u32 s0  }
0x4d: {  	p0 =	sne.s32 s0, $0x9000;
	s0 =	sadd.s32 $0x800, s0;
	_ =	swait.ge [sflag:s23], $0x800  }
0x4e: {  	s1 =	sshra.s32 s1, $0x2;
	[sflag:s23] =	ssyncset.done $0x0  }
0x4f: {  	s15 =	sadd.s32 $0x2800, s1;
	[sflag:s23] =	ssyncadd.s32 $0xFFFFF800  }
0x50: {  	[spmem:s4] =	stream.indirect.scatter.add.f32 [tilespmem:s17], [sflag:$0x5], $0x10, s15, s16, $0xb8;
	[tilespmem:$0xBF00] =	vst v63  }
0x51: {  	_ =	swait.ge [sflag:s24], $0x800  }
0x52: {  	[sflag:s24] =	ssyncset.done $0x0  }
0x53: {  	s15 =	sadd.s32 $0x200, s1;
	[sflag:s24] =	ssyncadd.s32 $0xFFFFF800  }
0x54: {  	[tilespmem:s17], [sflag:$0x1] =	stream.indirect.gather [spmem:s3], $0x10, s15, s16, $0xb8;
	[tilespmem:$0xBF00] =	vst v63  }
0x55: {  	_ =	swait.ge [sflag:s25], $0x800  }
0x56: {  	[sflag:s25] =	ssyncset.done $0x0  }
0x57: {  	s15 =	sadd.s32 $0x2880, s1;
	[sflag:s25] =	ssyncadd.s32 $0xFFFFF800  }
0x58: {  	[spmem:s4] =	stream.indirect.scatter.add.f32 [tilespmem:s18], [sflag:$0x6], $0x10, s15, s16, $0xb8;
	[tilespmem:$0xBF00] =	vst v63  }
0x59: {  	_ =	swait.ge [sflag:s26], $0x800  }
0x5a: {  	[sflag:s26] =	ssyncset.done $0x0  }
0x5b: {  	s15 =	sadd.s32 $0x280, s1;
	[sflag:s26] =	ssyncadd.s32 $0xFFFFF800  }
0x5c: {  	[tilespmem:s18], [sflag:$0x2] =	stream.indirect.gather [spmem:s3], $0x10, s15, s16, $0xb8;
	[tilespmem:$0xBF00] =	vst v63  }
0x5d: {  	_ =	swait.ge [sflag:s28], $0x800  }
0x5e: {  	[sflag:s28] =	ssyncset.done $0x0  }
0x5f: {  	s15 =	sadd.s32 $0x2900, s1;
	[sflag:s28] =	ssyncadd.s32 $0xFFFFF800  }
0x60: {  	[spmem:s4] =	stream.indirect.scatter.add.f32 [tilespmem:s20], [sflag:$0x7], $0x10, s15, s16, $0xb8;
	[tilespmem:$0xBF00] =	vst v63  }
0x61: {  	_ =	swait.ge [sflag:s29], $0x800  }
0x62: {  	[sflag:s29] =	ssyncset.done $0x0  }
0x63: {  	s15 =	sadd.s32 $0x300, s1;
	[sflag:s29] =	ssyncadd.s32 $0xFFFFF800  }
0x64: {  	[tilespmem:s20], [sflag:$0x3] =	stream.indirect.gather [spmem:s3], $0x10, s15, s16, $0xb8;
	[tilespmem:$0xBF00] =	vst v63  }
0x65: {  	_ =	swait.ge [sflag:s30], $0x800  }
0x66: {  	[sflag:s30] =	ssyncset.done $0x0  }
.Ltmp0:
0x67: {  	s15 =	sadd.s32 $0x2980, s1;
	[sflag:s30] =	ssyncadd.s32 $0xFFFFF800;
	(pc) =	sbr.rel @p0 .LBB2_2-.Ltmp0, $4  }
0x68: {  	[spmem:s4] =	stream.indirect.scatter.add.f32 [tilespmem:s22], [sflag:$0x8], $0x10, s15, s16, $0xb8;
	[tilespmem:$0xBF00] =	vst v63  }
0x69: {  	_ =	swait.ge [sflag:s31], $0x800  }
0x6a: {  	[sflag:s31] =	ssyncset.done $0x0  }
0x6b: {  	s1 =	sadd.s32 $0x380, s1;
	[sflag:s31] =	ssyncadd.s32 $0xFFFFF800  }
0x6c: {  	[tilespmem:s22], [sflag:$0x4] =	stream.indirect.gather [spmem:s3], $0x10, s1, s16, $0xb8;
	[tilespmem:$0xBF00] =	vst v63  }
0x6d: {  	_ =	swait.ge [sflag:s23], $0x800  }
0x6e: {  	[sflag:s23] =	ssyncset.done $0x0  }
0x6f: {  	s0 =	simm.s32 $0x4E00;
	[sflag:s23] =	ssyncadd.s32 $0xFFFFF800  }
0x70: {  	[spmem:s4] =	stream.indirect.scatter.add.f32 [tilespmem:s17], [sflag:$0x5], $0x10, s0, s16, $0xb8;
	[tilespmem:$0xBF00] =	vst v63  }
0x71: {  	_ =	swait.ge [sflag:s24], $0x800  }
0x72: {  	[sflag:s24] =	ssyncset.done $0x0  }
0x73: {  	[sflag:s24] =	ssyncadd.s32 $0xFFFFF800  }
0x74: {  	[tilespmem:s17], [sflag:$0x1] =	stream.indirect.gather [spmem:s3], $0x10, s5, s16, $0xb8;
	[tilespmem:$0xBF00] =	vst v63  }
0x75: {  	_ =	swait.ge [sflag:s25], $0x800  }
0x76: {  	[sflag:s25] =	ssyncset.done $0x0  }
0x77: {  	s15 =	simm.s32 $0x4E80;
	[sflag:s25] =	ssyncadd.s32 $0xFFFFF800  }
0x78: {  	[spmem:s4] =	stream.indirect.scatter.add.f32 [tilespmem:s18], [sflag:$0x6], $0x10, s15, s16, $0xb8;
	[tilespmem:$0xBF00] =	vst v63  }
0x79: {  	_ =	swait.ge [sflag:s26], $0x800  }
0x7a: {  	[sflag:s26] =	ssyncset.done $0x0  }
0x7b: {  	[sflag:s26] =	ssyncadd.s32 $0xFFFFF800  }
0x7c: {  	[tilespmem:s18], [sflag:$0x2] =	stream.indirect.gather [spmem:s3], $0x10, s16, s16, $0xb8;
	[tilespmem:$0xBF00] =	vst v63  }
0x7d: {  	_ =	swait.ge [sflag:s28], $0x800  }
0x7e: {  	[sflag:s28] =	ssyncset.done $0x0  }
0x7f: {  	s1 =	simm.s32 $0x4F00;
	[sflag:s28] =	ssyncadd.s32 $0xFFFFF800  }
0x80: {  	[spmem:s4] =	stream.indirect.scatter.add.f32 [tilespmem:s20], [sflag:$0x7], $0x10, s1, s16, $0xb8;
	[tilespmem:$0xBF00] =	vst v63  }
0x81: {  	_ =	swait.ge [sflag:s29], $0x800  }
0x82: {  	[sflag:s29] =	ssyncset.done $0x0  }
0x83: {  	[sflag:s29] =	ssyncadd.s32 $0xFFFFF800  }
0x84: {  	[tilespmem:s20], [sflag:$0x3] =	stream.indirect.gather [spmem:s3], $0x10, s19, s16, $0xb8;
	[tilespmem:$0xBF00] =	vst v63  }
0x85: {  	_ =	swait.ge [sflag:s30], $0x800  }
0x86: {  	[sflag:s30] =	ssyncset.done $0x0  }
0x87: {  	s15 =	simm.s32 $0x4F80;
	[sflag:s30] =	ssyncadd.s32 $0xFFFFF800  }
0x88: {  	[spmem:s4] =	stream.indirect.scatter.add.f32 [tilespmem:s22], [sflag:$0x8], $0x10, s15, s16, $0xb8;
	[tilespmem:$0xBF00] =	vst v63  }
0x89: {  	_ =	swait.ge [sflag:s31], $0x800  }
0x8a: {  	[sflag:s31] =	ssyncset.done $0x0  }
0x8b: {  	[sflag:s31] =	ssyncadd.s32 $0xFFFFF800  }
0x8c: {  	[tilespmem:s22], [sflag:$0x4] =	stream.indirect.gather [spmem:s3], $0x10, s21, s16, $0xb8;
	[tilespmem:$0xBF00] =	vst v63  }
0x8d: {  	_ =	swait.ge [sflag:s23], $0x800  }
0x8e: {  	[sflag:s23] =	ssyncset.done $0x0  }
0x8f: {  	[sflag:s23] =	ssyncadd.s32 $0xFFFFF800  }
0x90: {  	_ =	swait.ge [sflag:s25], $0x800  }
0x91: {  	[sflag:s25] =	ssyncset.done $0x0  }
0x92: {  	[sflag:s25] =	ssyncadd.s32 $0xFFFFF800  }
0x93: {  	_ =	swait.ge [sflag:s28], $0x800  }
0x94: {  	[sflag:s28] =	ssyncset.done $0x0  }
0x95: {  	[sflag:s28] =	ssyncadd.s32 $0xFFFFF800  }
0x96: {  	_ =	swait.ge [sflag:s30], $0x800  }
0x97: {  	s2 =	sadd.s32 $0x1, s2;
	[sflag:s30] =	ssyncset.done $0x0  }
0x98: {  	p0 =	sne.s32 s2, s11;
	[sflag:s30] =	ssyncadd.s32 $0xFFFFF800  }
.Ltmp1:
0x99: {  	[bflag:$0x0] =	sbarrier.arrive $0xFFFF;
	(pc) =	sbr.rel @p0 .LBB2_1-.Ltmp1, $4  }
0x9a: {  	[hbm:s10], [sflag:s7] =	dma.local [spmem:s14], $0x4F0  }
0x9b: {  	_ =	swait.ge [sflag:s13], $0x4F0  }
0x9c: {  	[sflag:s13] =	ssyncset.done $0x0  }
0x9d: {  	[sflag:s13] =	ssyncadd.s32 $0xFFFFFB10  }
0x9e: {  	_ =	sfence.sel $0x180000  }
0x9f: {  	[bflag:$0x0] =	sbarrier.arrive $0xFFFF  }
0xa0: {  	_ =	strace $0x9000004A  }
0xa1: {  	s0 =	stileid.u32;
	[bflag:$0x2] =	sbarrier.arrive $0xFFFF  }
0xa2: {  	p0 =	sne.s32 s0, $0x0;
	s0 =	rddreg [dreg:$0x4]  }
0xa3: {  	s0 =	sadd.s32 @!p0 $0x100000, s0  }
0xa4: {  	[sflag:s0] =	ssyncadd.tile.s32 @!p0 $0x1;
	_ =	shalt  }
.Lfunc_end2:
_tile_overlayer_lowered:
.L_overlay_start_2:
0xa5: {  	(tag) =	ssettag $0x2  }
0xa6: {  	s0 =	rddreg [dreg:$0x0];
	s2 =	stileid.u32  }
0xa7: {  	s1 =	rddreg [dreg:$0x1];
	p0 =	sne.s32 s2, $0x0  }
0xa8: {  	s3 =	rddreg [dreg:$0x2];
	[bflag:$0x3] =	sbarrier.arrive $0xFFFF;
	s2 =	simm.s32 @!p0 $0x1C09  }
0xa9: {  	[timem:s3], [sflag:s2] =	dma.local @!p0 [hbm:s0], s1  }
0xaa: {  	s0 =	simm.s32 @!p0 $0x9  }
0xab: {  	_ =	swait.ge @!p0 [sflag:s0], s1  }
0xac: {  	s1 =	ssub.s32 @!p0 $0x0, s1;
	[sflag:s0] =	ssyncset.done @!p0 $0x0  }
0xad: {  	[sflag:s0] =	ssyncadd.s32 @!p0 s1  }
0xae: {  	[bflag:$0x3] =	sbarrier.arrive $0xFFFF  }
0xaf: {  	_ =	shalt  }

// kernel: kernel.7.cloned.1.call-start
scs
__scs_entry_jumppad:
0x0: {  	(pc) =	sbr.rel $0x88, $3  }
0x1: {  	(tag) =	ssettag $0x0;
	lr =	simm.s32 $0x1  }
0x2: {  	[smem:$0x3F97] =	sst lr;
	_ =	strace $0xD0000000  }
0x3: {  	_ = 	snop  }
0x4: {  	_ = 	snop  }
0x5: {  	_ = 	snop  }
0x6: {  	_ = 	snop  }
0x7: {  	_ = 	snop  }
__scs_overlays_trampoline_lowered:
0x8: {  	[smem:$0x3FA6] =	sst s0  }
0x9: {  	[smem:$0x3FA7] =	sst s1  }
0xa: {  	[smem:$0x3FA8] =	sst s2  }
0xb: {  	[smem:$0x3FA9] =	sst s3  }
0xc: {  	[smem:$0x3FAA] =	sst s4  }
0xd: {  	[smem:$0x3FAB] =	sst s5  }
0xe: {  	[smem:$0x3FAC] =	sst s6  }
0xf: {  	[smem:$0x3FAD] =	sst s7  }
0x10: {  	[smem:$0x3FAE] =	sst s8  }
0x11: {  	[smem:$0x3FAF] =	sst s9;
	s0 =	simm.s32 @!p0 $0x0  }
0x12: {  	s1 =	sld [smem:$0x3F95];
	s0 =	simm.s32 @p0 $0x1  }
0x13: {  	[smem:$0x3FB0] =	sst s0;
	s0 =	simm.s32 @!p1 $0x0  }
0x14: {  	s2 =	sld [smem:$0x3F94];
	s0 =	simm.s32 @p1 $0x1  }
0x15: {  	[smem:$0x3FB1] =	sst s0;
	s0 =	simm.s32 @!p2 $0x0  }
0x16: {  	s3 =	sld [smem:$0x3FDB];
	s0 =	simm.s32 @p2 $0x1  }
0x17: {  	s4 =	simm.s32 $0x1BF5;
	[smem:$0x3FB3] =	sst s0  }
0x18: {  	s0 =	sld [smem:$0x3F96];
	_ =	swait.ge [sflag:s4], $0x0  }
0x19: {  	s7 =	sld [smem:$0x3F97]  }
0x1a: {  	s8 =	sadd.s32 $0xFFFFE003, lr  }
0x1b: {  	s9 =	sadd.s32 $0xFFFFFEF7, lr;
	s5 =	simm.s32 $0xFFFFFFFF;
	p2 =	slt.u32 s8, $0xFFFFF086  }
0x1c: {  	p1 =	slt.u32 s9, $0xF7A;
	s5 =	simm.s32 @!p2 $0x0  }
0x1d: {  	s5 =	simm.s32 @p1 $0x1;
	p0 =	seq.s32 s7, s2  }
0x1e: {  	s7 =	smul.u32 @!p0 $0xF7A, s2;
	p2 =	seq.s32 @!p0 s5, $0x0  }
0x1f: {  	s9 =	smul.u32 $0xF7A, s1;
	s8 =	simm.s32 @!p0 $0x1BF5;
	p2 =	por !p2, p0  }
0x20: {  	[sflag:s8] =	ssyncset.s32 @!p0 $0xFFFFF086;
	s6 =	sadd.s32 @!p0 s3, s7;
	s7 =	simm.s32 @!p0 $0x108  }
0x21: {  	s3 =	sadd.s32 s3, s9;
	s6 =	sadd.s32 @!p0 $0x88, s6;
	s7 =	simm.s32 @p2 $0x1082  }
0x22: {  	[simem:s7], [sflag:s8] =	dma.local @!p0 [hbm:s6], $0xF7A  }
0x23: {  	s9 =	sor.u32 $0xD0000000, s2;
	s6 =	simm.s32 $0x108;
	_ =	swait.ge @!p0 [sflag:s8], $0x0  }
0x24: {  	s3 =	sadd.s32 $0x88, s3;
	s6 =	simm.s32 @!p1 $0x1082;
	[sflag:s4] =	ssyncset.s32 $0xFFFFF086  }
0x25: {  	[simem:s6], [sflag:s4] =	dma.local [hbm:s3], $0xF7A  }
0x26: {  	[smem:$0x3F97] =	sst s1;
	(tag) =	ssettag s2;
	_ =	strace s9  }
0x27: {  	s1 =	sld [smem:$0x3FA7]  }
0x28: {  	s2 =	sld [smem:$0x3FA8]  }
0x29: {  	s4 =	sld [smem:$0x3FAA]  }
0x2a: {  	p0 =	seq.s32 s5, $0x0;
	s5 =	sld [smem:$0x3FAB]  }
0x2b: {  	s6 =	sld [smem:$0x3FAC]  }
0x2c: {  	s7 =	sld [smem:$0x3FAD]  }
0x2d: {  	s3 =	simm.s32 $0x108;
	s8 =	sld [smem:$0x3FAE]  }
0x2e: {  	s3 =	simm.s32 @!p0 $0x1082;
	s9 =	sld [smem:$0x3FAF]  }
0x2f: {  	lr =	sadd.s32 s0, s3;
	s0 =	sld [smem:$0x3FA6]  }
0x30: {  	s3 =	sld [smem:$0x3FA9]  }
0x31: {  	[smem:$0x3FB2] =	sst s10  }
0x32: {  	s10 =	sld [smem:$0x3FB0];
	_ =	sdelay $0x3  }
0x33: {  	p0 =	seq.s32 s10, $0x1;
	s10 =	sld [smem:$0x3FB2];
	_ =	sdelay $0x3  }
0x34: {  	[smem:$0x3FB2] =	sst s10  }
0x35: {  	s10 =	sld [smem:$0x3FB1];
	_ =	sdelay $0x3  }
0x36: {  	p1 =	seq.s32 s10, $0x1;
	s10 =	sld [smem:$0x3FB2];
	_ =	sdelay $0x3  }
0x37: {  	[smem:$0x3FB2] =	sst s10  }
0x38: {  	s10 =	sld [smem:$0x3FB3]  }
0x39: {  	_ = 	snop;
	(pc) =	sbr.ind lr, $3  }
0x3a: {  	_ = 	snop  }
0x3b: {  	_ = 	snop  }
0x3c: {  	p2 =	seq.s32 s10, $0x1;
	s10 =	sld [smem:$0x3FB2]  }
0x3d: {  	_ =	shalt  }
0x3e: {  	_ =	shalt  }
0x3f: {  	_ =	shalt  }
0x40: {  	_ =	shalt  }
0x41: {  	_ =	shalt  }
0x42: {  	_ =	shalt  }
0x43: {  	_ =	shalt  }
0x44: {  	_ =	shalt  }
0x45: {  	_ =	shalt  }
0x46: {  	_ =	shalt  }
0x47: {  	_ =	shalt  }
0x48: {  	_ =	shalt  }
0x49: {  	_ =	shalt  }
0x4a: {  	_ =	shalt  }
0x4b: {  	_ =	shalt  }
0x4c: {  	_ =	shalt  }
0x4d: {  	_ =	shalt  }
0x4e: {  	_ =	shalt  }
0x4f: {  	_ =	shalt  }
0x50: {  	_ =	shalt  }
0x51: {  	_ =	shalt  }
0x52: {  	_ =	shalt  }
0x53: {  	_ =	shalt  }
0x54: {  	_ =	shalt  }
0x55: {  	_ =	shalt  }
0x56: {  	_ =	shalt  }
0x57: {  	_ =	shalt  }
0x58: {  	_ =	shalt  }
0x59: {  	_ =	shalt  }
0x5a: {  	_ =	shalt  }
0x5b: {  	_ =	shalt  }
0x5c: {  	_ =	shalt  }
0x5d: {  	_ =	shalt  }
0x5e: {  	_ =	shalt  }
0x5f: {  	_ =	shalt  }
0x60: {  	_ =	shalt  }
0x61: {  	_ =	shalt  }
0x62: {  	_ =	shalt  }
0x63: {  	_ =	shalt  }
0x64: {  	_ =	shalt  }
0x65: {  	_ =	shalt  }
0x66: {  	_ =	shalt  }
0x67: {  	_ =	shalt  }
0x68: {  	_ =	shalt  }
0x69: {  	_ =	shalt  }
0x6a: {  	_ =	shalt  }
0x6b: {  	_ =	shalt  }
0x6c: {  	_ =	shalt  }
0x6d: {  	_ =	shalt  }
0x6e: {  	_ =	shalt  }
0x6f: {  	_ =	shalt  }
0x70: {  	_ =	shalt  }
0x71: {  	_ =	shalt  }
0x72: {  	_ =	shalt  }
0x73: {  	_ =	shalt  }
0x74: {  	_ =	shalt  }
0x75: {  	_ =	shalt  }
0x76: {  	_ =	shalt  }
0x77: {  	_ =	shalt  }
0x78: {  	_ =	shalt  }
0x79: {  	_ =	shalt  }
0x7a: {  	_ =	shalt  }
0x7b: {  	_ =	shalt  }
0x7c: {  	_ =	shalt  }
0x7d: {  	_ =	shalt  }
0x7e: {  	_ =	shalt  }
0x7f: {  	_ =	shalt  }
0x80: {  	_ =	shalt  }
0x81: {  	_ =	shalt  }
0x82: {  	_ =	shalt  }
0x83: {  	_ =	shalt  }
0x84: {  	_ =	shalt  }
0x85: {  	_ =	shalt  }
0x86: {  	_ =	shalt  }
0x87: {  	_ =	shalt  }
.Lfunc_end0:
.L_simem_size_0:
called_computation_lowered:
.L_overlay_start_0:
0x88: {  	s2 =	sld [smem:$0x3FD9]  }
0x89: {  	s3 =	sld [smem:$0x3FFE];
	_ =	sdelay $0x1  }
0x8a: {  	s1 =	srdreg.scid  }
0x8b: {  	s0 =	sand.u32 $0x1, s1  }
0x8c: {  	s16 =	sshll.u32 s0, $0xA;
	s2 =	sadd.s32 s3, s2  }
0x8d: {  	s2 =	sadd.s32 s2, s16  }
0x8e: {  	[smem:$0x3FBE] =	sst s2  }
0x8f: {  	_ = 	snop  }
0x90: {  	(tm) =	ssettm $0x1  }
0x91: {  	s17 =	sld [smem:$0x3FFB];
	_ =	sdelay $0x3  }
0x92: {  	_ =	strace s17  }
0x93: {  	s2 =	sld [smem:$0x3FFC];
	_ =	sdelay $0x3  }
0x94: {  	_ =	strace s2  }
0x95: {  	s2 =	sld [smem:$0x3FFD];
	_ =	sdelay $0x3  }
0x96: {  	_ =	strace s2  }
0x97: {  	_ =	strace $0x8FFFFFFF  }
0x98: {  	s18 =	sld [smem:$0x3FDB];
	_ =	sdelay $0x1  }
0x99: {  	s19 =	simm.s32 $_scs_section_size  }
0x9a: {  	s4 =	simm.s32 $_size__tile_overlayer_lowered;
	s5 =	simm.s32 $_tile_overlayer_lowered  }
0x9b: {  	s22 =	simm.s32 $0x1BFF;
	s21 =	sshll.u32 s5, $0x1;
	s2 =	sadd.s32 s19, s18  }
0x9c: {  	s6 =	simm.s32 $0x0;
	s20 =	sshll.u32 s4, $0x1;
	s4 =	sadd.s32 s21, s2  }
0x9d: {  	[timem:s6], [sflag:s22] =	dma.local [hbm:s4], s20  }
0x9e: {  	_ =	swait.ge [sflag:s22], s20  }
0x9f: {  	s3 =	ssub.s32 $0x0, s20;
	[sflag:s22] =	ssyncset.done $0x0  }
0xa0: {  	[sflag:s22] =	ssyncadd.s32 s3;
	_ =	sdelay $0x1  }
0xa1: {  	s23 =	simm.s32 $0x1B8B  }
0xa2: {  	_ =	swait.ge [sflag:s23], $0x1  }
0xa3: {  	[sflag:s23] =	ssyncset.done $0x0  }
0xa4: {  	s25 =	simm.s32 $0x1B8E;
	s24 =	sld [smem:$0x3FFE];
	[sflag:s23] =	ssyncadd.s32 $0xFFFFFFFF  }
0xa5: {  	s26 =	simm.s32 $execute0_lowered;
	[smem:$0x3FD2] =	sst s25  }
0xa6: {  	s4 =	sshll.u32 s26, $0x1;
	_ =	strace $0x80000046;
	[dreg:$0x1] =	wrdreg $0xFFFFFFFF  }
0xa7: {  	s28 =	simm.s32 $_size_execute0_lowered;
	s2 =	sadd.s32 s2, s4;
	[dreg:$0x0] =	wrdreg $0x0  }
0xa8: {  	s4 =	sshll.u32 s28, $0x1;
	[dreg:$0x2] =	wrdreg s2  }
0xa9: {  	[dreg:$0x3] =	wrdreg s4  }
0xaa: {  	[dreg:$0x4] =	wrdreg $0xC0  }
0xab: {  	_ =	task [dreg:s6], $0x5FFFF  }
0xac: {  	[dreg:$0x1] =	wrdreg $0xFFFFFFFF  }
0xad: {  	[dreg:$0x0] =	wrdreg $0x60  }
0xae: {  	[dreg:$0x2] =	wrdreg s24  }
0xaf: {  	[dreg:$0x3] =	wrdreg $0x90000  }
0xb0: {  	[dreg:$0x4] =	wrdreg $0xDF000  }
0xb1: {  	[dreg:$0x5] =	wrdreg $0x132000  }
0xb2: {  	[dreg:$0x6] =	wrdreg $0x9  }
0xb3: {  	_ =	task.clear_ibuf [dreg:s6], $0x7FFFF;
	_ =	strace $0x90000046  }
0xb4: {  	s29 =	simm.s32 $0x9;
	_ =	strace $0x80000048  }
0xb5: {  	_ =	swait.ge [sflag:s29], $0x1  }
0xb6: {  	[sflag:s29] =	ssyncadd.s32 $0xFFFFFFFF  }
0xb7: {  	_ =	strace $0x90000048  }
0xb8: {  	_ =	sfence  }
0xb9: {  	s30 =	sld [smem:$0x0];
	_ =	sdelay $0x2  }
0xba: {  	s31 =	sshll.u32 s1, $0xD;
	s1 =	sshrl.u32 s1, $0x2  }
0xbb: {  	s3 =	sand.u32 $0x4000, s31;
	s1 =	sadd.s32 s1, s30  }
0xbc: {  	s0 =	sor.u32 s3, s0;
	s1 =	sshll.u32 s1, $0x11  }
0xbd: {  	s0 =	sor.u32 s1, s0  }
0xbe: {  	s0 =	sadd.s32 $0x8F2B, s0  }
0xbf: {  	[sflag:s0] =	ssyncadd.remote.s32 $0x1  }
0xc0: {  	_ =	sfence.sel $0xFFFF  }
0xc1: {  	[dreg:$0x0] =	wrdreg $0xFFFFFFFF;
	(pc) =	sbr.abs _section_cstart, $3  }
0xc2: {  	[dreg:$0x1] =	wrdreg $0xFFFFFFFF  }
0xc3: {  	_ =	task.clear_ibuf [dreg:s6], $0x2FFFF;
	_ =	strace $0x9FFFFFFF  }
0xc4: {  	(tm) =	ssettm $0x7FFFFFFF  }
0xc5: {  	_ =	shalt  }
tec
execute0_lowered:
.L_overlay_start_1:
0x0: {  	(tag) =	ssettag $0x1  }
0x1: {  	s0 =	rddreg [dreg:$0x0]  }
0x2: {  	s2 =	srdreg.scid;
	s1 =	rddreg [dreg:$0x1]  }
0x3: {  	s12 =	stileid.u32;
	s3 =	rddreg [dreg:$0x2]  }
0x4: {  	s17 =	simm.s32 $0xA;
	s28 =	simm.s32 $0x100;
	s29 =	simm.s32 $0x8000  }
0x5: {  	s30 =	simm.s32 $0x1;
	s31 =	simm.s32 $0x5;
	s14 =	simm.s32 $0x4F80  }
0x6: {  	s15 =	simm.s32 $0x0;
	s2 =	sand.u32 $0x1, s2;
	s7 =	smul.u32 $0x4F00, s12  }
0x7: {  	s4 =	sshll.u32 s12, $0x1;
	s9 =	smul.u32 $0x13C0, s12;
	s13 =	sadd.s32 $0x20000, s0  }
0x8: {  	s19 =	sadd.s32 $0x1FE00, s0;
	s20 =	sadd.s32 $0x1FA00, s0;
	s8 =	smul.u32 $0x4F000, s2  }
0x9: {  	s12 =	sshll.u32 s12, $0x6;
	s5 =	sor.u32 s2, s4;
	s11 =	smul.u32 $0x13C00, s2  }
0xa: {  	s4 =	rddreg [dreg:$0x3];
	s2 =	ssub.s32 $0x2, s2;
	s6 =	smul.u32 $0x500, s5  }
0xb: {  	s5 =	simm.s32 $0x0;
	s10 =	sshrl.u32 s7, $0x3;
	s21 =	sshrl.u32 s2, $0x1  }
0xc: {  	s22 =	sadd.s32 s7, s1;
	[smem:$0x7FF] =	sst s5;
	s10 =	sadd.s32 s10, s0  }
0xd: {  	s8 =	sadd.s32 s7, s8;
	s11 =	sadd.s32 s9, s11;
	s2 =	ssub.s32 s2, s21  }
0xe: {  	s7 =	sadd.s32 s7, s3;
	s9 =	sadd.s32 s9, s4;
	s26 =	sshrl.u32 s22, $0x3  }
0xf: {  	s22 =	simm.s32 $0x80;
	_ =	strace $0x80000047;
	[dreg:$0x5] =	wrdreg s13  }
0x10: {  	s21 =	simm.s32 $0x6;
	s6 =	sadd.s32 s6, s0;
	[dreg:$0x6] =	wrdreg s19  }
0x11: {  	[dreg:$0x7] =	wrdreg s20;
	s8 =	sshrl.u32 s8, $0x3;
	s11 =	sshrl.u32 s11, $0x3  }
0x12: {  	s10 =	sadd.s32 $0x1C00, s10;
	s25 =	smax.u32 s2, $0x1;
	[dreg:$0xe] =	wrdreg s26  }
0x13: {  	s18 =	sshrl.u32 s7, $0x3;
	s19 =	sshrl.u32 s9, $0x3;
	s20 =	simm.s32 $0x12E00  }
0x14: {  	s26 =	simm.s32 $0x7000;
	s2 =	simm.s32 $0x9;
	s7 =	simm.s32 $0x7  }
0x15: {  	s9 =	simm.s32 $0x8;
	s13 =	simm.s32 $0x4F00;
	[dreg:$0x8] =	wrdreg s10  }
0x16: {  	s8 =	sadd.s32 s8, s0;
	s23 =	sadd.s32 $0x15A00, s6;
	[dreg:$0xd] =	wrdreg s25  }
0x17: {  	s0 =	sadd.s32 s11, s0;
	s6 =	sadd.s32 $0xBA00, s6;
	[dreg:$0x9] =	wrdreg s23  }
0x18: {  	s10 =	sor.u32 $0x1C0A, s12;
	s12 =	simm.s32 $0x4E80;
	[dreg:$0xa] =	wrdreg s6  }
0x19: {  	s24 =	sadd.s32 $0x25A00, s8;
	s0 =	sadd.s32 $0x20A00, s0;
	s23 =	simm.s32 $0x5000  }
0x1a: {  	s6 =	simm.s32 $0x3;
	s8 =	simm.s32 $0x4;
	[dreg:$0xb] =	wrdreg s24  }
0x1b: {  	[dreg:$0xc] =	wrdreg s0;
	s24 =	simm.s32 $0x6000;
	s0 =	simm.s32 $0x2  }
.LBB2_1:
0x1c: {  	s16 =	rddreg [dreg:$0x8]  }
0x1d: {  	s25 =	rddreg [dreg:$0xe]  }
0x1e: {  	[spmem:s25], [sflag:s10] =	dma.local [hbm:s16], $0x9E0  }
0x1f: {  	_ =	swait.ge [sflag:s17], $0x9E0  }
0x20: {  	[sflag:s17] =	ssyncset.done $0x0  }
0x21: {  	s25 =	rddreg [dreg:$0x5];
	[sflag:s17] =	ssyncadd.s32 $0xFFFFF620  }
0x22: {  	[spmem:s18], [sflag:s10] =	dma.local [hbm:s25], $0x9E0  }
0x23: {  	_ =	swait.ge [sflag:s17], $0x9E0  }
0x24: {  	[sflag:s17] =	ssyncset.done $0x0  }
0x25: {  	s25 =	rddreg [dreg:$0x7];
	[sflag:s17] =	ssyncadd.s32 $0xFFFFF620  }
0x26: {  	[spmem:s19], [sflag:s10] =	dma.local [hbm:s25], $0x278  }
0x27: {  	_ =	swait.ge [sflag:s17], $0x278  }
0x28: {  	[sflag:s17] =	ssyncset.done $0x0  }
0x29: {  	s25 =	rddreg [dreg:$0x6];
	[sflag:s17] =	ssyncadd.s32 $0xFFFFFD88  }
0x2a: {  	[tilespmem:s20], [sflag:$0xA] =	stream.linear.gather [hbm4b:s25+s5], $0x400, $0x38;
	[tilespmem:$0x145C0] =	vst v63  }
0x2b: {  	_ =	swait.ge [sflag:s17], $0x400  }
0x2c: {  	[sflag:s17] =	ssyncset.done $0x0  }
0x2d: {  	s25 =	rddreg [dreg:$0x9];
	[sflag:s17] =	ssyncadd.s32 $0xFFFFFC00  }
0x2e: {  	[tilespmem:s5], [sflag:$0xA] =	stream.linear.gather [hbm4b:s25+s5], $0x2800, $0x38;
	[tilespmem:$0x145C0] =	vst v63  }
0x2f: {  	_ =	swait.ge [sflag:s17], $0x2800  }
0x30: {  	[sflag:s17] =	ssyncset.done $0x0  }
0x31: {  	s25 =	simm.s32 $0x2800;
	s16 =	rddreg [dreg:$0xa];
	[sflag:s17] =	ssyncadd.s32 $0xFFFFD800  }
0x32: {  	[tilespmem:s25], [sflag:$0xA] =	stream.linear.gather [hbm4b:s16+s5], $0x2800, $0x38;
	[tilespmem:$0x145C0] =	vst v63  }
0x33: {  	_ =	swait.ge [sflag:s17], $0x2800  }
0x34: {  	[sflag:s17] =	ssyncset.done $0x0  }
0x35: {  	[sflag:s17] =	ssyncadd.s32 $0xFFFFD800  }
0x36: {  	[bflag:$0x0] =	sbarrier.arrive $0xFFFF  }
0x37: {  	[tilespmem:s23], [sflag:$0x1] =	stream.indirect.gather [spmem:s1], $0x20, s5, s22, $0xb8;
	[tilespmem:$0x145C0] =	vst v63  }
0x38: {  	_ = 	snop  }
0x39: {  	[tilespmem:s24], [sflag:$0x2] =	stream.indirect.gather [spmem:s1], $0x20, s22, s22, $0xb8;
	[tilespmem:$0x145C0] =	vst v63  }
0x3a: {  	_ = 	snop  }
0x3b: {  	[tilespmem:s26], [sflag:$0x3] =	stream.indirect.gather [spmem:s1], $0x20, s28, s22, $0xb8;
	[tilespmem:$0x145C0] =	vst v63  }
0x3c: {  	s11 =	simm.s32 $0x180  }
0x3d: {  	[tilespmem:s29], [sflag:$0x4] =	stream.indirect.gather [spmem:s1], $0x20, s11, s22, $0xb8;
	[tilespmem:$0x145C0] =	vst v63  }
0x3e: {  	_ =	swait.ge [sflag:s30], $0x1000  }
0x3f: {  	[sflag:s30] =	ssyncset.done $0x0  }
0x40: {  	s25 =	simm.s32 $0x2800;
	[sflag:s30] =	ssyncadd.s32 $0xFFFFF000  }
0x41: {  	[spmem:s3] =	stream.indirect.scatter.add.f32 [tilespmem:s23], [sflag:$0x5], $0x20, s25, s22, $0xb8;
	[tilespmem:$0x145C0] =	vst v63  }
0x42: {  	_ = 	snop  }
0x43: {  	[spmem:s4] =	stream.indirect.scatter.add.f32 [tilespmem:s20], [sflag:$0x9], $0x8, s25, s22, $0xb8;
	[tilespmem:$0x145C0] =	vst v63  }
0x44: {  	_ =	swait.ge [sflag:s31], $0x1000  }
0x45: {  	[sflag:s31] =	ssyncset.done $0x0  }
0x46: {  	s28 =	simm.s32 $0x200;
	[sflag:s31] =	ssyncadd.s32 $0xFFFFF000  }
0x47: {  	[tilespmem:s23], [sflag:$0x1] =	stream.indirect.gather [spmem:s1], $0x20, s28, s22, $0xb8;
	[tilespmem:$0x145C0] =	vst v63  }
0x48: {  	_ =	swait.ge [sflag:s2], $0x400  }
0x49: {  	[sflag:s2] =	ssyncset.done $0x0  }
0x4a: {  	[sflag:s2] =	ssyncadd.s32 $0xFFFFFC00  }
0x4b: {  	_ =	swait.ge [sflag:s0], $0x1000  }
0x4c: {  	[sflag:s0] =	ssyncset.done $0x0  }
0x4d: {  	s11 =	simm.s32 $0x2880;
	[sflag:s0] =	ssyncadd.s32 $0xFFFFF000  }
0x4e: {  	[spmem:s3] =	stream.indirect.scatter.add.f32 [tilespmem:s24], [sflag:$0x6], $0x20, s11, s22, $0xb8;
	[tilespmem:$0x145C0] =	vst v63  }
0x4f: {  	_ = 	snop  }
0x50: {  	[spmem:s4] =	stream.indirect.scatter.add.f32 [tilespmem:s20], [sflag:$0x9], $0x8, s11, s22, $0xb8;
	[tilespmem:$0x145C0] =	vst v63  }
0x51: {  	_ =	swait.ge [sflag:s21], $0x1000  }
0x52: {  	[sflag:s21] =	ssyncset.done $0x0  }
0x53: {  	s25 =	simm.s32 $0x280;
	[sflag:s21] =	ssyncadd.s32 $0xFFFFF000  }
0x54: {  	[tilespmem:s24], [sflag:$0x2] =	stream.indirect.gather [spmem:s1], $0x20, s25, s22, $0xb8;
	[tilespmem:$0x145C0] =	vst v63  }
0x55: {  	_ =	swait.ge [sflag:s2], $0x400  }
0x56: {  	[sflag:s2] =	ssyncset.done $0x0  }
0x57: {  	[sflag:s2] =	ssyncadd.s32 $0xFFFFFC00  }
0x58: {  	_ =	swait.ge [sflag:s6], $0x1000  }
0x59: {  	[sflag:s6] =	ssyncset.done $0x0  }
0x5a: {  	s28 =	simm.s32 $0x2900;
	[sflag:s6] =	ssyncadd.s32 $0xFFFFF000  }
0x5b: {  	[spmem:s3] =	stream.indirect.scatter.add.f32 [tilespmem:s26], [sflag:$0x7], $0x20, s28, s22, $0xb8;
	[tilespmem:$0x145C0] =	vst v63  }
0x5c: {  	_ = 	snop  }
0x5d: {  	[spmem:s4] =	stream.indirect.scatter.add.f32 [tilespmem:s20], [sflag:$0x9], $0x8, s28, s22, $0xb8;
	[tilespmem:$0x145C0] =	vst v63  }
0x5e: {  	_ =	swait.ge [sflag:s7], $0x1000  }
0x5f: {  	[sflag:s7] =	ssyncset.done $0x0  }
0x60: {  	s11 =	simm.s32 $0x300;
	[sflag:s7] =	ssyncadd.s32 $0xFFFFF000  }
0x61: {  	[tilespmem:s26], [sflag:$0x3] =	stream.indirect.gather [spmem:s1], $0x20, s11, s22, $0xb8;
	[tilespmem:$0x145C0] =	vst v63  }
0x62: {  	_ =	swait.ge [sflag:s2], $0x400  }
0x63: {  	[sflag:s2] =	ssyncset.done $0x0  }
0x64: {  	[sflag:s2] =	ssyncadd.s32 $0xFFFFFC00  }
0x65: {  	_ =	swait.ge [sflag:s8], $0x1000  }
0x66: {  	[sflag:s8] =	ssyncset.done $0x0  }
0x67: {  	s25 =	simm.s32 $0x2980;
	[sflag:s8] =	ssyncadd.s32 $0xFFFFF000  }
0x68: {  	[spmem:s3] =	stream.indirect.scatter.add.f32 [tilespmem:s29], [sflag:$0x8], $0x20, s25, s22, $0xb8;
	[tilespmem:$0x145C0] =	vst v63  }
0x69: {  	_ = 	snop  }
0x6a: {  	[spmem:s4] =	stream.indirect.scatter.add.f32 [tilespmem:s20], [sflag:$0x9], $0x8, s25, s22, $0xb8;
	[tilespmem:$0x145C0] =	vst v63  }
0x6b: {  	_ =	swait.ge [sflag:s9], $0x1000  }
0x6c: {  	[sflag:s9] =	ssyncset.done $0x0  }
0x6d: {  	s28 =	simm.s32 $0x380;
	[sflag:s9] =	ssyncadd.s32 $0xFFFFF000  }
0x6e: {  	[tilespmem:s29], [sflag:$0x4] =	stream.indirect.gather [spmem:s1], $0x20, s28, s22, $0xb8;
	[tilespmem:$0x145C0] =	vst v63  }
0x6f: {  	_ =	swait.ge [sflag:s2], $0x400  }
0x70: {  	s16 =	simm.s32 $0x800;
	[sflag:s2] =	ssyncset.done $0x0  }
.LBB2_2:
0x71: {  	p0 =	sne.s32 s16, $0x9000  }
0x72: {  	[sflag:s2] =	ssyncadd.s32 $0xFFFFFC00;
	s25 =	smov.u32 s16;
	s16 =	sadd.s32 $0x800, s16  }
0x73: {  	_ =	swait.ge [sflag:s30], $0x1000  }
0x74: {  	s25 =	sshra.s32 s25, $0x2;
	[sflag:s30] =	ssyncset.done $0x0  }
0x75: {  	s28 =	sadd.s32 $0x2800, s25;
	[sflag:s30] =	ssyncadd.s32 $0xFFFFF000  }
0x76: {  	[spmem:s3] =	stream.indirect.scatter.add.f32 [tilespmem:s23], [sflag:$0x5], $0x20, s28, s22, $0xb8;
	[tilespmem:$0x145C0] =	vst v63  }
0x77: {  	_ = 	snop  }
0x78: {  	[spmem:s4] =	stream.indirect.scatter.add.f32 [tilespmem:s20], [sflag:$0x9], $0x8, s28, s22, $0xb8;
	[tilespmem:$0x145C0] =	vst v63  }
0x79: {  	_ =	swait.ge [sflag:s31], $0x1000  }
0x7a: {  	[sflag:s31] =	ssyncset.done $0x0  }
0x7b: {  	s28 =	sadd.s32 $0x200, s25;
	[sflag:s31] =	ssyncadd.s32 $0xFFFFF000  }
0x7c: {  	[tilespmem:s23], [sflag:$0x1] =	stream.indirect.gather [spmem:s1], $0x20, s28, s22, $0xb8;
	[tilespmem:$0x145C0] =	vst v63  }
0x7d: {  	_ =	swait.ge [sflag:s2], $0x400  }
0x7e: {  	[sflag:s2] =	ssyncset.done $0x0  }
0x7f: {  	[sflag:s2] =	ssyncadd.s32 $0xFFFFFC00  }
0x80: {  	_ =	swait.ge [sflag:s0], $0x1000  }
0x81: {  	[sflag:s0] =	ssyncset.done $0x0  }
0x82: {  	s28 =	sadd.s32 $0x2880, s25;
	[sflag:s0] =	ssyncadd.s32 $0xFFFFF000  }
0x83: {  	[spmem:s3] =	stream.indirect.scatter.add.f32 [tilespmem:s24], [sflag:$0x6], $0x20, s28, s22, $0xb8;
	[tilespmem:$0x145C0] =	vst v63  }
0x84: {  	_ = 	snop  }
0x85: {  	[spmem:s4] =	stream.indirect.scatter.add.f32 [tilespmem:s20], [sflag:$0x9], $0x8, s28, s22, $0xb8;
	[tilespmem:$0x145C0] =	vst v63  }
0x86: {  	_ =	swait.ge [sflag:s21], $0x1000  }
0x87: {  	[sflag:s21] =	ssyncset.done $0x0  }
0x88: {  	s28 =	sadd.s32 $0x280, s25;
	[sflag:s21] =	ssyncadd.s32 $0xFFFFF000  }
0x89: {  	[tilespmem:s24], [sflag:$0x2] =	stream.indirect.gather [spmem:s1], $0x20, s28, s22, $0xb8;
	[tilespmem:$0x145C0] =	vst v63  }
0x8a: {  	_ =	swait.ge [sflag:s2], $0x400  }
0x8b: {  	[sflag:s2] =	ssyncset.done $0x0  }
0x8c: {  	[sflag:s2] =	ssyncadd.s32 $0xFFFFFC00  }
0x8d: {  	_ =	swait.ge [sflag:s6], $0x1000  }
0x8e: {  	[sflag:s6] =	ssyncset.done $0x0  }
0x8f: {  	s28 =	sadd.s32 $0x2900, s25;
	[sflag:s6] =	ssyncadd.s32 $0xFFFFF000  }
0x90: {  	[spmem:s3] =	stream.indirect.scatter.add.f32 [tilespmem:s26], [sflag:$0x7], $0x20, s28, s22, $0xb8;
	[tilespmem:$0x145C0] =	vst v63  }
0x91: {  	_ = 	snop  }
0x92: {  	[spmem:s4] =	stream.indirect.scatter.add.f32 [tilespmem:s20], [sflag:$0x9], $0x8, s28, s22, $0xb8;
	[tilespmem:$0x145C0] =	vst v63  }
0x93: {  	_ =	swait.ge [sflag:s7], $0x1000  }
0x94: {  	[sflag:s7] =	ssyncset.done $0x0  }
0x95: {  	s28 =	sadd.s32 $0x300, s25;
	[sflag:s7] =	ssyncadd.s32 $0xFFFFF000  }
0x96: {  	[tilespmem:s26], [sflag:$0x3] =	stream.indirect.gather [spmem:s1], $0x20, s28, s22, $0xb8;
	[tilespmem:$0x145C0] =	vst v63  }
0x97: {  	_ =	swait.ge [sflag:s2], $0x400  }
0x98: {  	[sflag:s2] =	ssyncset.done $0x0  }
0x99: {  	[sflag:s2] =	ssyncadd.s32 $0xFFFFFC00  }
0x9a: {  	_ =	swait.ge [sflag:s8], $0x1000  }
0x9b: {  	[sflag:s8] =	ssyncset.done $0x0  }
0x9c: {  	s28 =	sadd.s32 $0x2980, s25;
	[sflag:s8] =	ssyncadd.s32 $0xFFFFF000  }
0x9d: {  	[spmem:s3] =	stream.indirect.scatter.add.f32 [tilespmem:s29], [sflag:$0x8], $0x20, s28, s22, $0xb8;
	[tilespmem:$0x145C0] =	vst v63  }
0x9e: {  	_ = 	snop  }
0x9f: {  	[spmem:s4] =	stream.indirect.scatter.add.f32 [tilespmem:s20], [sflag:$0x9], $0x8, s28, s22, $0xb8;
	[tilespmem:$0x145C0] =	vst v63  }
0xa0: {  	_ =	swait.ge [sflag:s9], $0x1000  }
.Ltmp0:
0xa1: {  	[sflag:s9] =	ssyncset.done $0x0;
	(pc) =	sbr.rel @p0 .LBB2_2-.Ltmp0, $4  }
0xa2: {  	s25 =	sadd.s32 $0x380, s25;
	[sflag:s9] =	ssyncadd.s32 $0xFFFFF000  }
0xa3: {  	[tilespmem:s29], [sflag:$0x4] =	stream.indirect.gather [spmem:s1], $0x20, s25, s22, $0xb8;
	[tilespmem:$0x145C0] =	vst v63  }
0xa4: {  	_ =	swait.ge [sflag:s2], $0x400  }
0xa5: {  	[sflag:s2] =	ssyncset.done $0x0  }
0xa6: {  	[sflag:s2] =	ssyncadd.s32 $0xFFFFFC00  }
0xa7: {  	_ =	swait.ge [sflag:s30], $0x1000  }
0xa8: {  	[sflag:s30] =	ssyncset.done $0x0  }
0xa9: {  	s11 =	simm.s32 $0x4E00;
	[sflag:s30] =	ssyncadd.s32 $0xFFFFF000  }
0xaa: {  	[spmem:s3] =	stream.indirect.scatter.add.f32 [tilespmem:s23], [sflag:$0x5], $0x20, s11, s22, $0xb8;
	[tilespmem:$0x145C0] =	vst v63  }
0xab: {  	_ = 	snop  }
0xac: {  	[spmem:s4] =	stream.indirect.scatter.add.f32 [tilespmem:s20], [sflag:$0x9], $0x8, s11, s22, $0xb8;
	[tilespmem:$0x145C0] =	vst v63  }
0xad: {  	_ =	swait.ge [sflag:s31], $0x1000  }
0xae: {  	[sflag:s31] =	ssyncset.done $0x0  }
0xaf: {  	[sflag:s31] =	ssyncadd.s32 $0xFFFFF000  }
0xb0: {  	[tilespmem:s23], [sflag:$0x1] =	stream.indirect.gather [spmem:s1], $0x20, s5, s22, $0xb8;
	[tilespmem:$0x145C0] =	vst v63  }
0xb1: {  	_ =	swait.ge [sflag:s2], $0x400  }
0xb2: {  	[sflag:s2] =	ssyncset.done $0x0  }
0xb3: {  	[sflag:s2] =	ssyncadd.s32 $0xFFFFFC00  }
0xb4: {  	_ =	swait.ge [sflag:s0], $0x1000  }
0xb5: {  	[sflag:s0] =	ssyncset.done $0x0  }
0xb6: {  	[sflag:s0] =	ssyncadd.s32 $0xFFFFF000  }
0xb7: {  	[spmem:s3] =	stream.indirect.scatter.add.f32 [tilespmem:s24], [sflag:$0x6], $0x20, s12, s22, $0xb8;
	[tilespmem:$0x145C0] =	vst v63  }
0xb8: {  	_ = 	snop  }
0xb9: {  	[spmem:s4] =	stream.indirect.scatter.add.f32 [tilespmem:s20], [sflag:$0x9], $0x8, s12, s22, $0xb8;
	[tilespmem:$0x145C0] =	vst v63  }
0xba: {  	_ =	swait.ge [sflag:s21], $0x1000  }
0xbb: {  	[sflag:s21] =	ssyncset.done $0x0  }
0xbc: {  	[sflag:s21] =	ssyncadd.s32 $0xFFFFF000  }
0xbd: {  	[tilespmem:s24], [sflag:$0x2] =	stream.indirect.gather [spmem:s1], $0x20, s22, s22, $0xb8;
	[tilespmem:$0x145C0] =	vst v63  }
0xbe: {  	_ =	swait.ge [sflag:s2], $0x400  }
0xbf: {  	[sflag:s2] =	ssyncset.done $0x0  }
0xc0: {  	[sflag:s2] =	ssyncadd.s32 $0xFFFFFC00  }
0xc1: {  	_ =	swait.ge [sflag:s6], $0x1000  }
0xc2: {  	[sflag:s6] =	ssyncset.done $0x0  }
0xc3: {  	[sflag:s6] =	ssyncadd.s32 $0xFFFFF000  }
0xc4: {  	[spmem:s3] =	stream.indirect.scatter.add.f32 [tilespmem:s26], [sflag:$0x7], $0x20, s13, s22, $0xb8;
	[tilespmem:$0x145C0] =	vst v63  }
0xc5: {  	_ = 	snop  }
0xc6: {  	[spmem:s4] =	stream.indirect.scatter.add.f32 [tilespmem:s20], [sflag:$0x9], $0x8, s13, s22, $0xb8;
	[tilespmem:$0x145C0] =	vst v63  }
0xc7: {  	_ =	swait.ge [sflag:s7], $0x1000  }
0xc8: {  	[sflag:s7] =	ssyncset.done $0x0  }
0xc9: {  	s28 =	simm.s32 $0x100;
	[sflag:s7] =	ssyncadd.s32 $0xFFFFF000  }
0xca: {  	[tilespmem:s26], [sflag:$0x3] =	stream.indirect.gather [spmem:s1], $0x20, s28, s22, $0xb8;
	[tilespmem:$0x145C0] =	vst v63  }
0xcb: {  	_ =	swait.ge [sflag:s2], $0x400  }
0xcc: {  	[sflag:s2] =	ssyncset.done $0x0  }
0xcd: {  	[sflag:s2] =	ssyncadd.s32 $0xFFFFFC00  }
0xce: {  	_ =	swait.ge [sflag:s8], $0x1000  }
0xcf: {  	[sflag:s8] =	ssyncset.done $0x0  }
0xd0: {  	[sflag:s8] =	ssyncadd.s32 $0xFFFFF000  }
0xd1: {  	[spmem:s3] =	stream.indirect.scatter.add.f32 [tilespmem:s29], [sflag:$0x8], $0x20, s14, s22, $0xb8;
	[tilespmem:$0x145C0] =	vst v63  }
0xd2: {  	_ = 	snop  }
0xd3: {  	[spmem:s4] =	stream.indirect.scatter.add.f32 [tilespmem:s20], [sflag:$0x9], $0x8, s14, s22, $0xb8;
	[tilespmem:$0x145C0] =	vst v63  }
0xd4: {  	_ =	swait.ge [sflag:s9], $0x1000  }
0xd5: {  	[sflag:s9] =	ssyncset.done $0x0  }
0xd6: {  	s25 =	simm.s32 $0x180;
	[sflag:s9] =	ssyncadd.s32 $0xFFFFF000  }
0xd7: {  	[tilespmem:s29], [sflag:$0x4] =	stream.indirect.gather [spmem:s1], $0x20, s25, s22, $0xb8;
	[tilespmem:$0x145C0] =	vst v63  }
0xd8: {  	_ =	swait.ge [sflag:s2], $0x400  }
0xd9: {  	[sflag:s2] =	ssyncset.done $0x0  }
0xda: {  	[sflag:s2] =	ssyncadd.s32 $0xFFFFFC00  }
0xdb: {  	_ =	swait.ge [sflag:s30], $0x1000  }
0xdc: {  	[sflag:s30] =	ssyncset.done $0x0  }
0xdd: {  	[sflag:s30] =	ssyncadd.s32 $0xFFFFF000  }
0xde: {  	_ =	swait.ge [sflag:s0], $0x1000  }
0xdf: {  	[sflag:s0] =	ssyncset.done $0x0  }
0xe0: {  	[sflag:s0] =	ssyncadd.s32 $0xFFFFF000  }
0xe1: {  	_ =	swait.ge [sflag:s6], $0x1000  }
0xe2: {  	[sflag:s6] =	ssyncset.done $0x0  }
0xe3: {  	[sflag:s6] =	ssyncadd.s32 $0xFFFFF000  }
0xe4: {  	_ =	swait.ge [sflag:s8], $0x1000  }
0xe5: {  	[sflag:s8] =	ssyncset.done $0x0  }
0xe6: {  	[sflag:s8] =	ssyncadd.s32 $0xFFFFF000  }
0xe7: {  	[bflag:$0x0] =	sbarrier.arrive $0xFFFF  }
0xe8: {  	s16 =	rddreg [dreg:$0xb]  }
0xe9: {  	[hbm:s16], [sflag:s10] =	dma.local [spmem:s18], $0x9E0  }
0xea: {  	_ =	swait.ge [sflag:s17], $0x9E0  }
0xeb: {  	[sflag:s17] =	ssyncset.done $0x0  }
0xec: {  	s11 =	rddreg [dreg:$0xc];
	[sflag:s17] =	ssyncadd.s32 $0xFFFFF620  }
0xed: {  	[hbm:s11], [sflag:s10] =	dma.local [spmem:s19], $0x278  }
0xee: {  	_ =	swait.ge [sflag:s17], $0x278  }
0xef: {  	s15 =	sadd.s32 $0x1, s15;
	s25 =	rddreg [dreg:$0xd]  }
0xf0: {  	p0 =	sne.s32 s15, s25  }
.Ltmp1:
0xf1: {  	_ = 	snop;
	(pc) =	sbr.rel @p0 .LBB2_1-.Ltmp1, $3  }
0xf2: {  	_ =	sdelay $0x1  }
0xf3: {  	[sflag:s17] =	ssyncset.done $0x0  }
0xf4: {  	[sflag:s17] =	ssyncadd.s32 $0xFFFFFD88  }
0xf5: {  	_ =	sfence.sel $0x180000  }
0xf6: {  	[bflag:$0x0] =	sbarrier.arrive $0xFFFF  }
0xf7: {  	_ =	strace $0x90000047  }
0xf8: {  	s0 =	stileid.u32;
	[bflag:$0x2] =	sbarrier.arrive $0xFFFF  }
0xf9: {  	p0 =	sne.s32 s0, $0x0;
	s0 =	rddreg [dreg:$0x4]  }
0xfa: {  	s0 =	sadd.s32 @!p0 $0x100000, s0  }
0xfb: {  	[sflag:s0] =	ssyncadd.tile.s32 @!p0 $0x1;
	_ =	shalt  }
.Lfunc_end2:
_tile_overlayer_lowered:
.L_overlay_start_2:
0xfc: {  	(tag) =	ssettag $0x2  }
0xfd: {  	s0 =	rddreg [dreg:$0x0];
	s2 =	stileid.u32  }
0xfe: {  	s1 =	rddreg [dreg:$0x1];
	p0 =	sne.s32 s2, $0x0  }
0xff: {  	s3 =	rddreg [dreg:$0x2];
	[bflag:$0x3] =	sbarrier.arrive $0xFFFF;
	s2 =	simm.s32 @!p0 $0x1C0A  }
0x100: {  	[timem:s3], [sflag:s2] =	dma.local @!p0 [hbm:s0], s1  }
0x101: {  	s0 =	simm.s32 @!p0 $0xA  }
0x102: {  	_ =	swait.ge @!p0 [sflag:s0], s1  }
0x103: {  	s1 =	ssub.s32 @!p0 $0x0, s1;
	[sflag:s0] =	ssyncset.done @!p0 $0x0  }
0x104: {  	[sflag:s0] =	ssyncadd.s32 @!p0 s1  }
0x105: {  	[bflag:$0x3] =	sbarrier.arrive $0xFFFF  }
0x106: {  	_ =	shalt  }

</sc_bundles>
